<compile_context>
chip_gen: v7x
topology: tpu7x:2x2x1
jax: 0.10.2.dev20260603
libtpu: 0.0.44.dev20260713+nightly
codegen_flags: <defaults>
</compile_context>

<pallas_src>
import functools

import jax
import jax.numpy as jnp
from jax import lax
from jax.experimental import pallas as pl
from jax.experimental.pallas import tpu as pltpu
from jax.experimental.pallas import tpu_sc as plsc


FREEZE_RATIO = 0.9
BLOCK_S = 1024

_NUM_CORES = 2
_NUM_SUBCORES = 16
_NUM_WORKERS = _NUM_CORES * _NUM_SUBCORES

_ZB = 256


def _f32_to_f16(x):
    w = lax.bitcast_convert_type(x, jnp.int32)
    base = (jnp.abs(x) * (2.0 ** 112)) * (2.0 ** -110)
    shl1 = w + w
    e = jnp.maximum(lax.shift_right_logical(shl1, 24), 0x71)
    magic = lax.bitcast_convert_type(lax.shift_left(e, 23) + 0x07800000, jnp.float32)
    bits = lax.bitcast_convert_type(magic + base, jnp.int32)
    nonsign = (lax.shift_right_logical(bits, 13) & 0x7C00) + (bits & 0x0FFF)
    sign = lax.shift_right_logical(w, 16) & 0x8000
    return (nonsign | sign).astype(jnp.int16)


def _backup_block_kernel(x_ref, backup_ref):
    backup_ref[...] = _f32_to_f16(x_ref[...])


def _round_up8(n):
    return (n + 7) & ~7


def _make_sc_frozen(batch, seq, d, cutoff):
    blo = (cutoff // 8) * 8
    tail = seq - blo
    zw = _round_up8(-(-blo // _NUM_CORES))
    tw = _round_up8(-(-tail // _NUM_CORES))
    n_full, rem = divmod(zw, _ZB)
    zcap, tcap = blo - zw, tail - tw

    @functools.partial(
        pl.kernel,
        out_type=jax.ShapeDtypeStruct((batch * seq, d), jnp.float32),
        mesh=plsc.ScalarSubcoreMesh(axis_name="c"),
        scratch_types=[
            pltpu.VMEM_SHARED((_ZB, d), jnp.float32),
            pltpu.VMEM_SHARED((tw, d), jnp.float32),
            pltpu.SemaphoreType.DMA,
        ],
    )
    def sc_frozen(tokens_hbm, zeros_hbm, bnd_hbm, out_hbm, zbuf, tbuf, zsem):
        wid = lax.axis_index("c")
        pltpu.sync_copy(zeros_hbm, zbuf)
        z0 = jnp.minimum(wid * zw, zcap)
        t0 = jnp.minimum(wid * tw, tcap)
        handles = []
        for b in range(batch):
            start = b * seq + z0
            hb = []
            for i in range(n_full):
                hb.append(
                    pltpu.async_copy(
                        zbuf, out_hbm.at[pl.ds(start + i * _ZB, _ZB)], zsem
                    )
                )
            if rem:
                hb.append(
                    pltpu.async_copy(
                        zbuf.at[pl.ds(0, rem)],
                        out_hbm.at[pl.ds(start + n_full * _ZB, rem)],
                        zsem,
                    )
                )
            handles.append(hb)
            if b >= 1:
                for h in handles[b - 1]:
                    h.wait()
            tstart = b * seq + blo + t0

            @pl.when(wid == 0)
            def _():
                pltpu.sync_copy(bnd_hbm.at[pl.ds(b * 8, 8)], tbuf.at[pl.ds(0, 8)])
                pltpu.sync_copy(
                    tokens_hbm.at[pl.ds(b * seq + blo + 8, tw - 8)],
                    tbuf.at[pl.ds(8, tw - 8)],
                )

            @pl.when(wid != 0)
            def _():
                pltpu.sync_copy(tokens_hbm.at[pl.ds(tstart, tw)], tbuf)

            pltpu.sync_copy(tbuf, out_hbm.at[pl.ds(tstart, tw)])
        for h in handles[batch - 1]:
            h.wait()

    return sc_frozen


def kernel(tokens):
    batch, seq, d = tokens.shape
    cutoff = int(seq * FREEZE_RATIO)
    n_backup_blocks = seq // BLOCK_S
    blo = (cutoff // 8) * 8

    flat = tokens.reshape(batch * seq, d)
    zeros_rows = jnp.zeros((_ZB, d), jnp.float32)
    bnd = jnp.where(
        (blo + jnp.arange(8))[None, :, None] < cutoff,
        jnp.zeros((), jnp.float32),
        lax.slice_in_dim(tokens, blo, blo + 8, axis=1),
    ).reshape(batch * 8, d)

    frozen_flat = _make_sc_frozen(batch, seq, d, cutoff)(flat, zeros_rows, bnd)
    frozen = frozen_flat.reshape(batch, seq, d)

    backup3 = pl.pallas_call(
        _backup_block_kernel,
        grid=(batch, n_backup_blocks),
        in_specs=[
            pl.BlockSpec((1, BLOCK_S, d), lambda b, s: (b, s, 0)),
        ],
        out_specs=pl.BlockSpec((1, BLOCK_S, d), lambda b, s: (b, s, 0)),
        out_shape=jax.ShapeDtypeStruct((batch, cutoff, d), jnp.int16),
    )(tokens)

    frozen_count = jnp.array(batch * cutoff, dtype=jnp.int32)
    backup = lax.bitcast_convert_type(backup3, jnp.float16).reshape(batch * cutoff, d)
    return frozen, frozen_count, backup

# --- scband reference (transcript-rebuilt; emitter-appended) ---
"""Pipeline reference for scband-advanced-eitlossless-5042291605652 (READ-ONLY COPY).

The authoritative reference and input builder live on the scoring server;
editing this copy changes nothing except your own understanding.
"""

import jax, jax.numpy as jnp
import numpy as np

FREEZE_RATIO = 0.9

def setup_inputs(seed: int = 0) -> dict:
    key = jax.random.key(seed)
    tokens = jax.random.normal(key, (4, 8192, 2048), dtype=jnp.float32)
    return {"tokens": tokens}

def reference(tokens):
    # AdvancedEITLossless.freeze with strategy='prefix'
    batch_size, seq_len, d_model = tokens.shape
    cutoff = int(seq_len * FREEZE_RATIO)
    # prefix freeze mask: True for positions < cutoff
    pos = jnp.arange(seq_len)
    mask = jnp.broadcast_to(pos < cutoff, (batch_size, seq_len))  # bool [B, S]
    frozen_count = jnp.sum(mask.astype(jnp.int32))
    # backup of frozen embeddings in fp16 (lossless restore buffer); static count under prefix strategy
    flat_tokens = tokens.reshape(-1, d_model)
    flat_mask = mask.reshape(-1)
    frozen_idx = jnp.nonzero(flat_mask, size=batch_size * cutoff)[0]
    backup = jnp.take(flat_tokens, frozen_idx, axis=0).astype(jnp.float16)
    # zero-out frozen positions (scatter-overwrite semantics)
    frozen_tokens = jnp.where(mask[:, :, None], jnp.zeros((), dtype=tokens.dtype), tokens)
    return frozen_tokens, frozen_count, backup

if __name__ == "__main__":
    import jax
    _d = setup_inputs()
    print(jax.jit(kernel)(*tuple(_d.values())))

</pallas_src>

<mosaic_0001>
#map = affine_map<(d0) -> (0, 0)>
module attributes {stable_mosaic.version = 14 : i64} {
  func.func @sc_frozen(%arg0: i32, %arg1: memref<32768x2048xf32, #tpu.memory_space<hbm>>, %arg2: memref<256x2048xf32, #tpu.memory_space<hbm>>, %arg3: memref<32x2048xf32, #tpu.memory_space<hbm>>, %arg4: memref<32768x2048xf32, #tpu.memory_space<hbm>>, %arg5: memref<256x2048xf32, #tpu.memory_space<vmem_shared>>, %arg6: memref<416x2048xf32, #tpu.memory_space<vmem_shared>>, %arg7: memref<!tpu.dma_semaphore, #tpu.memory_space<semaphore_mem>>) attributes {dimension_semantics = [#tpu.dimension_semantics<core_parallel>], iteration_bounds = array<i64: 2>, scalar_prefetch = 0 : i64, scratch_operands = 3 : i64, tpu.core_type = #tpu.core_type<sc_scalar_subcore>, window_params = [{transform_indices = #map}, {transform_indices = #map}, {transform_indices = #map}, {transform_indices = #map}]} {
    "tpu.region"() ({
      %run_scoped3A = tpu.sem_alloc : memref<!tpu.dma_semaphore, #tpu.memory_space<semaphore_mem>>
      tpu.enqueue_dma source(%arg2 : memref<256x2048xf32, #tpu.memory_space<hbm>>) target(%arg5 : memref<256x2048xf32, #tpu.memory_space<vmem_shared>>) target_semaphore(%run_scoped3A : memref<!tpu.dma_semaphore, #tpu.memory_space<semaphore_mem>>)
      tpu.wait_dma2 semaphore(%run_scoped3A : memref<!tpu.dma_semaphore, #tpu.memory_space<semaphore_mem>>) src(%arg2 : memref<256x2048xf32, #tpu.memory_space<hbm>>) dst(%arg5 : memref<256x2048xf32, #tpu.memory_space<vmem_shared>>)
      tpu.yield
    }) : () -> ()
    %mul3A = arith.constant 3688 : i32
    %mul3A_0 = arith.muli %arg0, %mul3A : i32
    %min3A = arith.constant 3680 : i32
    %min3A_1 = arith.minsi %mul3A_0, %min3A : i32
    %mul3A_2 = arith.constant 416 : i32
    %mul3A_3 = arith.muli %arg0, %mul3A_2 : i32
    %min3A_4 = arith.constant 408 : i32
    %min3A_5 = arith.minsi %mul3A_3, %min3A_4 : i32
    %add3A = arith.constant 0 : i32
    %add3A_6 = arith.addi %add3A, %min3A_1 : i32
    %add3A_7 = arith.constant 0 : i32
    %add3A_8 = arith.addi %add3A_6, %add3A_7 : i32
    %dma_start3A = arith.constant 0 : i32
    %dma_start3A_9 = tpu.memref_slice %arg4[%add3A_8, %dma_start3A] : memref<32768x2048xf32, #tpu.memory_space<hbm>> -> memref<256x2048xf32, #tpu.memory_space<hbm>>
    tpu.enqueue_dma source(%arg5 : memref<256x2048xf32, #tpu.memory_space<vmem_shared>>) target(%dma_start3A_9 : memref<256x2048xf32, #tpu.memory_space<hbm>>) target_semaphore(%arg7 : memref<!tpu.dma_semaphore, #tpu.memory_space<semaphore_mem>>)
    %add3A_10 = arith.constant 256 : i32
    %add3A_11 = arith.addi %add3A_6, %add3A_10 : i32
    %dma_start3A_12 = arith.constant 0 : i32
    %dma_start3A_13 = tpu.memref_slice %arg4[%add3A_11, %dma_start3A_12] : memref<32768x2048xf32, #tpu.memory_space<hbm>> -> memref<256x2048xf32, #tpu.memory_space<hbm>>
    tpu.enqueue_dma source(%arg5 : memref<256x2048xf32, #tpu.memory_space<vmem_shared>>) target(%dma_start3A_13 : memref<256x2048xf32, #tpu.memory_space<hbm>>) target_semaphore(%arg7 : memref<!tpu.dma_semaphore, #tpu.memory_space<semaphore_mem>>)
    %add3A_14 = arith.constant 512 : i32
    %add3A_15 = arith.addi %add3A_6, %add3A_14 : i32
    %dma_start3A_16 = arith.constant 0 : i32
    %dma_start3A_17 = tpu.memref_slice %arg4[%add3A_15, %dma_start3A_16] : memref<32768x2048xf32, #tpu.memory_space<hbm>> -> memref<256x2048xf32, #tpu.memory_space<hbm>>
    tpu.enqueue_dma source(%arg5 : memref<256x2048xf32, #tpu.memory_space<vmem_shared>>) target(%dma_start3A_17 : memref<256x2048xf32, #tpu.memory_space<hbm>>) target_semaphore(%arg7 : memref<!tpu.dma_semaphore, #tpu.memory_space<semaphore_mem>>)
    %add3A_18 = arith.constant 768 : i32
    %add3A_19 = arith.addi %add3A_6, %add3A_18 : i32
    %dma_start3A_20 = arith.constant 0 : i32
    %dma_start3A_21 = tpu.memref_slice %arg4[%add3A_19, %dma_start3A_20] : memref<32768x2048xf32, #tpu.memory_space<hbm>> -> memref<256x2048xf32, #tpu.memory_space<hbm>>
    tpu.enqueue_dma source(%arg5 : memref<256x2048xf32, #tpu.memory_space<vmem_shared>>) target(%dma_start3A_21 : memref<256x2048xf32, #tpu.memory_space<hbm>>) target_semaphore(%arg7 : memref<!tpu.dma_semaphore, #tpu.memory_space<semaphore_mem>>)
    %add3A_22 = arith.constant 1024 : i32
    %add3A_23 = arith.addi %add3A_6, %add3A_22 : i32
    %dma_start3A_24 = arith.constant 0 : i32
    %dma_start3A_25 = tpu.memref_slice %arg4[%add3A_23, %dma_start3A_24] : memref<32768x2048xf32, #tpu.memory_space<hbm>> -> memref<256x2048xf32, #tpu.memory_space<hbm>>
    tpu.enqueue_dma source(%arg5 : memref<256x2048xf32, #tpu.memory_space<vmem_shared>>) target(%dma_start3A_25 : memref<256x2048xf32, #tpu.memory_space<hbm>>) target_semaphore(%arg7 : memref<!tpu.dma_semaphore, #tpu.memory_space<semaphore_mem>>)
    %add3A_26 = arith.constant 1280 : i32
    %add3A_27 = arith.addi %add3A_6, %add3A_26 : i32
    %dma_start3A_28 = arith.constant 0 : i32
    %dma_start3A_29 = tpu.memref_slice %arg4[%add3A_27, %dma_start3A_28] : memref<32768x2048xf32, #tpu.memory_space<hbm>> -> memref<256x2048xf32, #tpu.memory_space<hbm>>
    tpu.enqueue_dma source(%arg5 : memref<256x2048xf32, #tpu.memory_space<vmem_shared>>) target(%dma_start3A_29 : memref<256x2048xf32, #tpu.memory_space<hbm>>) target_semaphore(%arg7 : memref<!tpu.dma_semaphore, #tpu.memory_space<semaphore_mem>>)
    %add3A_30 = arith.constant 1536 : i32
    %add3A_31 = arith.addi %add3A_6, %add3A_30 : i32
    %dma_start3A_32 = arith.constant 0 : i32
    %dma_start3A_33 = tpu.memref_slice %arg4[%add3A_31, %dma_start3A_32] : memref<32768x2048xf32, #tpu.memory_space<hbm>> -> memref<256x2048xf32, #tpu.memory_space<hbm>>
    tpu.enqueue_dma source(%arg5 : memref<256x2048xf32, #tpu.memory_space<vmem_shared>>) target(%dma_start3A_33 : memref<256x2048xf32, #tpu.memory_space<hbm>>) target_semaphore(%arg7 : memref<!tpu.dma_semaphore, #tpu.memory_space<semaphore_mem>>)
    %add3A_34 = arith.constant 1792 : i32
    %add3A_35 = arith.addi %add3A_6, %add3A_34 : i32
    %dma_start3A_36 = arith.constant 0 : i32
    %dma_start3A_37 = tpu.memref_slice %arg4[%add3A_35, %dma_start3A_36] : memref<32768x2048xf32, #tpu.memory_space<hbm>> -> memref<256x2048xf32, #tpu.memory_space<hbm>>
    tpu.enqueue_dma source(%arg5 : memref<256x2048xf32, #tpu.memory_space<vmem_shared>>) target(%dma_start3A_37 : memref<256x2048xf32, #tpu.memory_space<hbm>>) target_semaphore(%arg7 : memref<!tpu.dma_semaphore, #tpu.memory_space<semaphore_mem>>)
    %add3A_38 = arith.constant 2048 : i32
    %add3A_39 = arith.addi %add3A_6, %add3A_38 : i32
    %dma_start3A_40 = arith.constant 0 : i32
    %dma_start3A_41 = tpu.memref_slice %arg4[%add3A_39, %dma_start3A_40] : memref<32768x2048xf32, #tpu.memory_space<hbm>> -> memref<256x2048xf32, #tpu.memory_space<hbm>>
    tpu.enqueue_dma source(%arg5 : memref<256x2048xf32, #tpu.memory_space<vmem_shared>>) target(%dma_start3A_41 : memref<256x2048xf32, #tpu.memory_space<hbm>>) target_semaphore(%arg7 : memref<!tpu.dma_semaphore, #tpu.memory_space<semaphore_mem>>)
    %add3A_42 = arith.constant 2304 : i32
    %add3A_43 = arith.addi %add3A_6, %add3A_42 : i32
    %dma_start3A_44 = arith.constant 0 : i32
    %dma_start3A_45 = tpu.memref_slice %arg4[%add3A_43, %dma_start3A_44] : memref<32768x2048xf32, #tpu.memory_space<hbm>> -> memref<256x2048xf32, #tpu.memory_space<hbm>>
    tpu.enqueue_dma source(%arg5 : memref<256x2048xf32, #tpu.memory_space<vmem_shared>>) target(%dma_start3A_45 : memref<256x2048xf32, #tpu.memory_space<hbm>>) target_semaphore(%arg7 : memref<!tpu.dma_semaphore, #tpu.memory_space<semaphore_mem>>)
    %add3A_46 = arith.constant 2560 : i32
    %add3A_47 = arith.addi %add3A_6, %add3A_46 : i32
    %dma_start3A_48 = arith.constant 0 : i32
    %dma_start3A_49 = tpu.memref_slice %arg4[%add3A_47, %dma_start3A_48] : memref<32768x2048xf32, #tpu.memory_space<hbm>> -> memref<256x2048xf32, #tpu.memory_space<hbm>>
    tpu.enqueue_dma source(%arg5 : memref<256x2048xf32, #tpu.memory_space<vmem_shared>>) target(%dma_start3A_49 : memref<256x2048xf32, #tpu.memory_space<hbm>>) target_semaphore(%arg7 : memref<!tpu.dma_semaphore, #tpu.memory_space<semaphore_mem>>)
    %add3A_50 = arith.constant 2816 : i32
    %add3A_51 = arith.addi %add3A_6, %add3A_50 : i32
    %dma_start3A_52 = arith.constant 0 : i32
    %dma_start3A_53 = tpu.memref_slice %arg4[%add3A_51, %dma_start3A_52] : memref<32768x2048xf32, #tpu.memory_space<hbm>> -> memref<256x2048xf32, #tpu.memory_space<hbm>>
    tpu.enqueue_dma source(%arg5 : memref<256x2048xf32, #tpu.memory_space<vmem_shared>>) target(%dma_start3A_53 : memref<256x2048xf32, #tpu.memory_space<hbm>>) target_semaphore(%arg7 : memref<!tpu.dma_semaphore, #tpu.memory_space<semaphore_mem>>)
    %add3A_54 = arith.constant 3072 : i32
    %add3A_55 = arith.addi %add3A_6, %add3A_54 : i32
    %dma_start3A_56 = arith.constant 0 : i32
    %dma_start3A_57 = tpu.memref_slice %arg4[%add3A_55, %dma_start3A_56] : memref<32768x2048xf32, #tpu.memory_space<hbm>> -> memref<256x2048xf32, #tpu.memory_space<hbm>>
    tpu.enqueue_dma source(%arg5 : memref<256x2048xf32, #tpu.memory_space<vmem_shared>>) target(%dma_start3A_57 : memref<256x2048xf32, #tpu.memory_space<hbm>>) target_semaphore(%arg7 : memref<!tpu.dma_semaphore, #tpu.memory_space<semaphore_mem>>)
    %add3A_58 = arith.constant 3328 : i32
    %add3A_59 = arith.addi %add3A_6, %add3A_58 : i32
    %dma_start3A_60 = arith.constant 0 : i32
    %dma_start3A_61 = tpu.memref_slice %arg4[%add3A_59, %dma_start3A_60] : memref<32768x2048xf32, #tpu.memory_space<hbm>> -> memref<256x2048xf32, #tpu.memory_space<hbm>>
    tpu.enqueue_dma source(%arg5 : memref<256x2048xf32, #tpu.memory_space<vmem_shared>>) target(%dma_start3A_61 : memref<256x2048xf32, #tpu.memory_space<hbm>>) target_semaphore(%arg7 : memref<!tpu.dma_semaphore, #tpu.memory_space<semaphore_mem>>)
    %add3A_62 = arith.constant 3584 : i32
    %add3A_63 = arith.addi %add3A_6, %add3A_62 : i32
    %dma_start3A_64 = arith.constant 0 : i32
    %dma_start3A_65 = tpu.memref_slice %arg4[%add3A_63, %dma_start3A_64] : memref<32768x2048xf32, #tpu.memory_space<hbm>> -> memref<104x2048xf32, #tpu.memory_space<hbm>>
    %dma_start3A_66 = arith.constant 0 : i32
    %dma_start3A_67 = arith.constant 0 : i32
    %dma_start3A_68 = tpu.memref_slice %arg5[%dma_start3A_66, %dma_start3A_67] : memref<256x2048xf32, #tpu.memory_space<vmem_shared>> -> memref<104x2048xf32, #tpu.memory_space<vmem_shared>>
    tpu.enqueue_dma source(%dma_start3A_68 : memref<104x2048xf32, #tpu.memory_space<vmem_shared>>) target(%dma_start3A_65 : memref<104x2048xf32, #tpu.memory_space<hbm>>) target_semaphore(%arg7 : memref<!tpu.dma_semaphore, #tpu.memory_space<semaphore_mem>>)
    %add3A_69 = arith.constant 7368 : i32
    %add3A_70 = arith.addi %add3A_69, %min3A_5 : i32
    %eq3A = arith.constant 0 : i32
    %eq3A_71 = arith.cmpi eq, %arg0, %eq3A : i32
    %convert_element_type3A = arith.extui %eq3A_71 : i1 to i32
    %cond3A = arith.constant 0 : i32
    %cond3A_72 = arith.cmpi ne, %convert_element_type3A, %cond3A : i32
    scf.if %cond3A_72 {
      "tpu.region"() ({
        %run_scoped3A = tpu.sem_alloc : memref<!tpu.dma_semaphore, #tpu.memory_space<semaphore_mem>>
        %dma_start3A_439 = arith.constant 0 : i32
        %dma_start3A_440 = arith.constant 0 : i32
        %dma_start3A_441 = tpu.memref_slice %arg6[%dma_start3A_439, %dma_start3A_440] : memref<416x2048xf32, #tpu.memory_space<vmem_shared>> -> memref<8x2048xf32, #tpu.memory_space<vmem_shared>>
        %dma_start3A_442 = arith.constant 0 : i32
        %dma_start3A_443 = arith.constant 0 : i32
        %dma_start3A_444 = tpu.memref_slice %arg3[%dma_start3A_442, %dma_start3A_443] : memref<32x2048xf32, #tpu.memory_space<hbm>> -> memref<8x2048xf32, #tpu.memory_space<hbm>>
        tpu.enqueue_dma source(%dma_start3A_444 : memref<8x2048xf32, #tpu.memory_space<hbm>>) target(%dma_start3A_441 : memref<8x2048xf32, #tpu.memory_space<vmem_shared>>) target_semaphore(%run_scoped3A : memref<!tpu.dma_semaphore, #tpu.memory_space<semaphore_mem>>)
        %dma_wait3A_445 = arith.constant 0 : i32
        %dma_wait3A_446 = arith.constant 0 : i32
        %dma_wait3A_447 = tpu.memref_slice %arg6[%dma_wait3A_445, %dma_wait3A_446] : memref<416x2048xf32, #tpu.memory_space<vmem_shared>> -> memref<8x2048xf32, #tpu.memory_space<vmem_shared>>
        %dma_wait3A_448 = arith.constant 0 : i32
        %dma_wait3A_449 = arith.constant 0 : i32
        %dma_wait3A_450 = tpu.memref_slice %arg3[%dma_wait3A_448, %dma_wait3A_449] : memref<32x2048xf32, #tpu.memory_space<hbm>> -> memref<8x2048xf32, #tpu.memory_space<hbm>>
        tpu.wait_dma2 semaphore(%run_scoped3A : memref<!tpu.dma_semaphore, #tpu.memory_space<semaphore_mem>>) src(%dma_wait3A_450 : memref<8x2048xf32, #tpu.memory_space<hbm>>) dst(%dma_wait3A_447 : memref<8x2048xf32, #tpu.memory_space<vmem_shared>>)
        tpu.yield
      }) : () -> ()
      "tpu.region"() ({
        %run_scoped3A = tpu.sem_alloc : memref<!tpu.dma_semaphore, #tpu.memory_space<semaphore_mem>>
        %dma_start3A_439 = arith.constant 8 : i32
        %dma_start3A_440 = arith.constant 0 : i32
        %dma_start3A_441 = tpu.memref_slice %arg6[%dma_start3A_439, %dma_start3A_440] : memref<416x2048xf32, #tpu.memory_space<vmem_shared>> -> memref<408x2048xf32, #tpu.memory_space<vmem_shared>>
        %dma_start3A_442 = arith.constant 7376 : i32
        %dma_start3A_443 = arith.constant 0 : i32
        %dma_start3A_444 = tpu.memref_slice %arg1[%dma_start3A_442, %dma_start3A_443] : memref<32768x2048xf32, #tpu.memory_space<hbm>> -> memref<408x2048xf32, #tpu.memory_space<hbm>>
        tpu.enqueue_dma source(%dma_start3A_444 : memref<408x2048xf32, #tpu.memory_space<hbm>>) target(%dma_start3A_441 : memref<408x2048xf32, #tpu.memory_space<vmem_shared>>) target_semaphore(%run_scoped3A : memref<!tpu.dma_semaphore, #tpu.memory_space<semaphore_mem>>)
        %dma_wait3A_445 = arith.constant 8 : i32
        %dma_wait3A_446 = arith.constant 0 : i32
        %dma_wait3A_447 = tpu.memref_slice %arg6[%dma_wait3A_445, %dma_wait3A_446] : memref<416x2048xf32, #tpu.memory_space<vmem_shared>> -> memref<408x2048xf32, #tpu.memory_space<vmem_shared>>
        %dma_wait3A_448 = arith.constant 7376 : i32
        %dma_wait3A_449 = arith.constant 0 : i32
        %dma_wait3A_450 = tpu.memref_slice %arg1[%dma_wait3A_448, %dma_wait3A_449] : memref<32768x2048xf32, #tpu.memory_space<hbm>> -> memref<408x2048xf32, #tpu.memory_space<hbm>>
        tpu.wait_dma2 semaphore(%run_scoped3A : memref<!tpu.dma_semaphore, #tpu.memory_space<semaphore_mem>>) src(%dma_wait3A_450 : memref<408x2048xf32, #tpu.memory_space<hbm>>) dst(%dma_wait3A_447 : memref<408x2048xf32, #tpu.memory_space<vmem_shared>>)
        tpu.yield
      }) : () -> ()
    } else {
    }
    %ne3A = arith.constant 0 : i32
    %ne3A_73 = arith.cmpi ne, %arg0, %ne3A : i32
    %convert_element_type3A_74 = arith.extui %ne3A_73 : i1 to i32
    %cond3A_75 = arith.constant 0 : i32
    %cond3A_76 = arith.cmpi ne, %convert_element_type3A_74, %cond3A_75 : i32
    scf.if %cond3A_76 {
      "tpu.region"() ({
        %run_scoped3A = tpu.sem_alloc : memref<!tpu.dma_semaphore, #tpu.memory_space<semaphore_mem>>
        %dma_start3A_439 = arith.constant 0 : i32
        %dma_start3A_440 = tpu.memref_slice %arg1[%add3A_70, %dma_start3A_439] : memref<32768x2048xf32, #tpu.memory_space<hbm>> -> memref<416x2048xf32, #tpu.memory_space<hbm>>
        tpu.enqueue_dma source(%dma_start3A_440 : memref<416x2048xf32, #tpu.memory_space<hbm>>) target(%arg6 : memref<416x2048xf32, #tpu.memory_space<vmem_shared>>) target_semaphore(%run_scoped3A : memref<!tpu.dma_semaphore, #tpu.memory_space<semaphore_mem>>)
        %dma_wait3A_441 = arith.constant 0 : i32
        %dma_wait3A_442 = tpu.memref_slice %arg1[%add3A_70, %dma_wait3A_441] : memref<32768x2048xf32, #tpu.memory_space<hbm>> -> memref<416x2048xf32, #tpu.memory_space<hbm>>
        tpu.wait_dma2 semaphore(%run_scoped3A : memref<!tpu.dma_semaphore, #tpu.memory_space<semaphore_mem>>) src(%dma_wait3A_442 : memref<416x2048xf32, #tpu.memory_space<hbm>>) dst(%arg6 : memref<416x2048xf32, #tpu.memory_space<vmem_shared>>)
        tpu.yield
      }) : () -> ()
    } else {
    }
    "tpu.region"() ({
      %run_scoped3A = tpu.sem_alloc : memref<!tpu.dma_semaphore, #tpu.memory_space<semaphore_mem>>
      %dma_start3A_439 = arith.constant 0 : i32
      %dma_start3A_440 = tpu.memref_slice %arg4[%add3A_70, %dma_start3A_439] : memref<32768x2048xf32, #tpu.memory_space<hbm>> -> memref<416x2048xf32, #tpu.memory_space<hbm>>
      tpu.enqueue_dma source(%arg6 : memref<416x2048xf32, #tpu.memory_space<vmem_shared>>) target(%dma_start3A_440 : memref<416x2048xf32, #tpu.memory_space<hbm>>) target_semaphore(%run_scoped3A : memref<!tpu.dma_semaphore, #tpu.memory_space<semaphore_mem>>)
      %dma_wait3A_441 = arith.constant 0 : i32
      %dma_wait3A_442 = tpu.memref_slice %arg4[%add3A_70, %dma_wait3A_441] : memref<32768x2048xf32, #tpu.memory_space<hbm>> -> memref<416x2048xf32, #tpu.memory_space<hbm>>
      tpu.wait_dma2 semaphore(%run_scoped3A : memref<!tpu.dma_semaphore, #tpu.memory_space<semaphore_mem>>) src(%arg6 : memref<416x2048xf32, #tpu.memory_space<vmem_shared>>) dst(%dma_wait3A_442 : memref<416x2048xf32, #tpu.memory_space<hbm>>)
      tpu.yield
    }) : () -> ()
    %add3A_77 = arith.constant 8192 : i32
    %add3A_78 = arith.addi %add3A_77, %min3A_1 : i32
    %add3A_79 = arith.constant 0 : i32
    %add3A_80 = arith.addi %add3A_78, %add3A_79 : i32
    %dma_start3A_81 = arith.constant 0 : i32
    %dma_start3A_82 = tpu.memref_slice %arg4[%add3A_80, %dma_start3A_81] : memref<32768x2048xf32, #tpu.memory_space<hbm>> -> memref<256x2048xf32, #tpu.memory_space<hbm>>
    tpu.enqueue_dma source(%arg5 : memref<256x2048xf32, #tpu.memory_space<vmem_shared>>) target(%dma_start3A_82 : memref<256x2048xf32, #tpu.memory_space<hbm>>) target_semaphore(%arg7 : memref<!tpu.dma_semaphore, #tpu.memory_space<semaphore_mem>>)
    %add3A_83 = arith.constant 256 : i32
    %add3A_84 = arith.addi %add3A_78, %add3A_83 : i32
    %dma_start3A_85 = arith.constant 0 : i32
    %dma_start3A_86 = tpu.memref_slice %arg4[%add3A_84, %dma_start3A_85] : memref<32768x2048xf32, #tpu.memory_space<hbm>> -> memref<256x2048xf32, #tpu.memory_space<hbm>>
    tpu.enqueue_dma source(%arg5 : memref<256x2048xf32, #tpu.memory_space<vmem_shared>>) target(%dma_start3A_86 : memref<256x2048xf32, #tpu.memory_space<hbm>>) target_semaphore(%arg7 : memref<!tpu.dma_semaphore, #tpu.memory_space<semaphore_mem>>)
    %add3A_87 = arith.constant 512 : i32
    %add3A_88 = arith.addi %add3A_78, %add3A_87 : i32
    %dma_start3A_89 = arith.constant 0 : i32
    %dma_start3A_90 = tpu.memref_slice %arg4[%add3A_88, %dma_start3A_89] : memref<32768x2048xf32, #tpu.memory_space<hbm>> -> memref<256x2048xf32, #tpu.memory_space<hbm>>
    tpu.enqueue_dma source(%arg5 : memref<256x2048xf32, #tpu.memory_space<vmem_shared>>) target(%dma_start3A_90 : memref<256x2048xf32, #tpu.memory_space<hbm>>) target_semaphore(%arg7 : memref<!tpu.dma_semaphore, #tpu.memory_space<semaphore_mem>>)
    %add3A_91 = arith.constant 768 : i32
    %add3A_92 = arith.addi %add3A_78, %add3A_91 : i32
    %dma_start3A_93 = arith.constant 0 : i32
    %dma_start3A_94 = tpu.memref_slice %arg4[%add3A_92, %dma_start3A_93] : memref<32768x2048xf32, #tpu.memory_space<hbm>> -> memref<256x2048xf32, #tpu.memory_space<hbm>>
    tpu.enqueue_dma source(%arg5 : memref<256x2048xf32, #tpu.memory_space<vmem_shared>>) target(%dma_start3A_94 : memref<256x2048xf32, #tpu.memory_space<hbm>>) target_semaphore(%arg7 : memref<!tpu.dma_semaphore, #tpu.memory_space<semaphore_mem>>)
    %add3A_95 = arith.constant 1024 : i32
    %add3A_96 = arith.addi %add3A_78, %add3A_95 : i32
    %dma_start3A_97 = arith.constant 0 : i32
    %dma_start3A_98 = tpu.memref_slice %arg4[%add3A_96, %dma_start3A_97] : memref<32768x2048xf32, #tpu.memory_space<hbm>> -> memref<256x2048xf32, #tpu.memory_space<hbm>>
    tpu.enqueue_dma source(%arg5 : memref<256x2048xf32, #tpu.memory_space<vmem_shared>>) target(%dma_start3A_98 : memref<256x2048xf32, #tpu.memory_space<hbm>>) target_semaphore(%arg7 : memref<!tpu.dma_semaphore, #tpu.memory_space<semaphore_mem>>)
    %add3A_99 = arith.constant 1280 : i32
    %add3A_100 = arith.addi %add3A_78, %add3A_99 : i32
    %dma_start3A_101 = arith.constant 0 : i32
    %dma_start3A_102 = tpu.memref_slice %arg4[%add3A_100, %dma_start3A_101] : memref<32768x2048xf32, #tpu.memory_space<hbm>> -> memref<256x2048xf32, #tpu.memory_space<hbm>>
    tpu.enqueue_dma source(%arg5 : memref<256x2048xf32, #tpu.memory_space<vmem_shared>>) target(%dma_start3A_102 : memref<256x2048xf32, #tpu.memory_space<hbm>>) target_semaphore(%arg7 : memref<!tpu.dma_semaphore, #tpu.memory_space<semaphore_mem>>)
    %add3A_103 = arith.constant 1536 : i32
    %add3A_104 = arith.addi %add3A_78, %add3A_103 : i32
    %dma_start3A_105 = arith.constant 0 : i32
    %dma_start3A_106 = tpu.memref_slice %arg4[%add3A_104, %dma_start3A_105] : memref<32768x2048xf32, #tpu.memory_space<hbm>> -> memref<256x2048xf32, #tpu.memory_space<hbm>>
    tpu.enqueue_dma source(%arg5 : memref<256x2048xf32, #tpu.memory_space<vmem_shared>>) target(%dma_start3A_106 : memref<256x2048xf32, #tpu.memory_space<hbm>>) target_semaphore(%arg7 : memref<!tpu.dma_semaphore, #tpu.memory_space<semaphore_mem>>)
    %add3A_107 = arith.constant 1792 : i32
    %add3A_108 = arith.addi %add3A_78, %add3A_107 : i32
    %dma_start3A_109 = arith.constant 0 : i32
    %dma_start3A_110 = tpu.memref_slice %arg4[%add3A_108, %dma_start3A_109] : memref<32768x2048xf32, #tpu.memory_space<hbm>> -> memref<256x2048xf32, #tpu.memory_space<hbm>>
    tpu.enqueue_dma source(%arg5 : memref<256x2048xf32, #tpu.memory_space<vmem_shared>>) target(%dma_start3A_110 : memref<256x2048xf32, #tpu.memory_space<hbm>>) target_semaphore(%arg7 : memref<!tpu.dma_semaphore, #tpu.memory_space<semaphore_mem>>)
    %add3A_111 = arith.constant 2048 : i32
    %add3A_112 = arith.addi %add3A_78, %add3A_111 : i32
    %dma_start3A_113 = arith.constant 0 : i32
    %dma_start3A_114 = tpu.memref_slice %arg4[%add3A_112, %dma_start3A_113] : memref<32768x2048xf32, #tpu.memory_space<hbm>> -> memref<256x2048xf32, #tpu.memory_space<hbm>>
    tpu.enqueue_dma source(%arg5 : memref<256x2048xf32, #tpu.memory_space<vmem_shared>>) target(%dma_start3A_114 : memref<256x2048xf32, #tpu.memory_space<hbm>>) target_semaphore(%arg7 : memref<!tpu.dma_semaphore, #tpu.memory_space<semaphore_mem>>)
    %add3A_115 = arith.constant 2304 : i32
    %add3A_116 = arith.addi %add3A_78, %add3A_115 : i32
    %dma_start3A_117 = arith.constant 0 : i32
    %dma_start3A_118 = tpu.memref_slice %arg4[%add3A_116, %dma_start3A_117] : memref<32768x2048xf32, #tpu.memory_space<hbm>> -> memref<256x2048xf32, #tpu.memory_space<hbm>>
    tpu.enqueue_dma source(%arg5 : memref<256x2048xf32, #tpu.memory_space<vmem_shared>>) target(%dma_start3A_118 : memref<256x2048xf32, #tpu.memory_space<hbm>>) target_semaphore(%arg7 : memref<!tpu.dma_semaphore, #tpu.memory_space<semaphore_mem>>)
    %add3A_119 = arith.constant 2560 : i32
    %add3A_120 = arith.addi %add3A_78, %add3A_119 : i32
    %dma_start3A_121 = arith.constant 0 : i32
    %dma_start3A_122 = tpu.memref_slice %arg4[%add3A_120, %dma_start3A_121] : memref<32768x2048xf32, #tpu.memory_space<hbm>> -> memref<256x2048xf32, #tpu.memory_space<hbm>>
    tpu.enqueue_dma source(%arg5 : memref<256x2048xf32, #tpu.memory_space<vmem_shared>>) target(%dma_start3A_122 : memref<256x2048xf32, #tpu.memory_space<hbm>>) target_semaphore(%arg7 : memref<!tpu.dma_semaphore, #tpu.memory_space<semaphore_mem>>)
    %add3A_123 = arith.constant 2816 : i32
    %add3A_124 = arith.addi %add3A_78, %add3A_123 : i32
    %dma_start3A_125 = arith.constant 0 : i32
    %dma_start3A_126 = tpu.memref_slice %arg4[%add3A_124, %dma_start3A_125] : memref<32768x2048xf32, #tpu.memory_space<hbm>> -> memref<256x2048xf32, #tpu.memory_space<hbm>>
    tpu.enqueue_dma source(%arg5 : memref<256x2048xf32, #tpu.memory_space<vmem_shared>>) target(%dma_start3A_126 : memref<256x2048xf32, #tpu.memory_space<hbm>>) target_semaphore(%arg7 : memref<!tpu.dma_semaphore, #tpu.memory_space<semaphore_mem>>)
    %add3A_127 = arith.constant 3072 : i32
    %add3A_128 = arith.addi %add3A_78, %add3A_127 : i32
    %dma_start3A_129 = arith.constant 0 : i32
    %dma_start3A_130 = tpu.memref_slice %arg4[%add3A_128, %dma_start3A_129] : memref<32768x2048xf32, #tpu.memory_space<hbm>> -> memref<256x2048xf32, #tpu.memory_space<hbm>>
    tpu.enqueue_dma source(%arg5 : memref<256x2048xf32, #tpu.memory_space<vmem_shared>>) target(%dma_start3A_130 : memref<256x2048xf32, #tpu.memory_space<hbm>>) target_semaphore(%arg7 : memref<!tpu.dma_semaphore, #tpu.memory_space<semaphore_mem>>)
    %add3A_131 = arith.constant 3328 : i32
    %add3A_132 = arith.addi %add3A_78, %add3A_131 : i32
    %dma_start3A_133 = arith.constant 0 : i32
    %dma_start3A_134 = tpu.memref_slice %arg4[%add3A_132, %dma_start3A_133] : memref<32768x2048xf32, #tpu.memory_space<hbm>> -> memref<256x2048xf32, #tpu.memory_space<hbm>>
    tpu.enqueue_dma source(%arg5 : memref<256x2048xf32, #tpu.memory_space<vmem_shared>>) target(%dma_start3A_134 : memref<256x2048xf32, #tpu.memory_space<hbm>>) target_semaphore(%arg7 : memref<!tpu.dma_semaphore, #tpu.memory_space<semaphore_mem>>)
    %add3A_135 = arith.constant 3584 : i32
    %add3A_136 = arith.addi %add3A_78, %add3A_135 : i32
    %dma_start3A_137 = arith.constant 0 : i32
    %dma_start3A_138 = tpu.memref_slice %arg4[%add3A_136, %dma_start3A_137] : memref<32768x2048xf32, #tpu.memory_space<hbm>> -> memref<104x2048xf32, #tpu.memory_space<hbm>>
    %dma_start3A_139 = arith.constant 0 : i32
    %dma_start3A_140 = arith.constant 0 : i32
    %dma_start3A_141 = tpu.memref_slice %arg5[%dma_start3A_139, %dma_start3A_140] : memref<256x2048xf32, #tpu.memory_space<vmem_shared>> -> memref<104x2048xf32, #tpu.memory_space<vmem_shared>>
    tpu.enqueue_dma source(%dma_start3A_141 : memref<104x2048xf32, #tpu.memory_space<vmem_shared>>) target(%dma_start3A_138 : memref<104x2048xf32, #tpu.memory_space<hbm>>) target_semaphore(%arg7 : memref<!tpu.dma_semaphore, #tpu.memory_space<semaphore_mem>>)
    %dma_wait3A = arith.constant 0 : i32
    %dma_wait3A_142 = tpu.memref_slice %arg4[%add3A_8, %dma_wait3A] : memref<32768x2048xf32, #tpu.memory_space<hbm>> -> memref<256x2048xf32, #tpu.memory_space<hbm>>
    tpu.wait_dma2 semaphore(%arg7 : memref<!tpu.dma_semaphore, #tpu.memory_space<semaphore_mem>>) src(%arg5 : memref<256x2048xf32, #tpu.memory_space<vmem_shared>>) dst(%dma_wait3A_142 : memref<256x2048xf32, #tpu.memory_space<hbm>>)
    %dma_wait3A_143 = arith.constant 0 : i32
    %dma_wait3A_144 = tpu.memref_slice %arg4[%add3A_11, %dma_wait3A_143] : memref<32768x2048xf32, #tpu.memory_space<hbm>> -> memref<256x2048xf32, #tpu.memory_space<hbm>>
    tpu.wait_dma2 semaphore(%arg7 : memref<!tpu.dma_semaphore, #tpu.memory_space<semaphore_mem>>) src(%arg5 : memref<256x2048xf32, #tpu.memory_space<vmem_shared>>) dst(%dma_wait3A_144 : memref<256x2048xf32, #tpu.memory_space<hbm>>)
    %dma_wait3A_145 = arith.constant 0 : i32
    %dma_wait3A_146 = tpu.memref_slice %arg4[%add3A_15, %dma_wait3A_145] : memref<32768x2048xf32, #tpu.memory_space<hbm>> -> memref<256x2048xf32, #tpu.memory_space<hbm>>
    tpu.wait_dma2 semaphore(%arg7 : memref<!tpu.dma_semaphore, #tpu.memory_space<semaphore_mem>>) src(%arg5 : memref<256x2048xf32, #tpu.memory_space<vmem_shared>>) dst(%dma_wait3A_146 : memref<256x2048xf32, #tpu.memory_space<hbm>>)
    %dma_wait3A_147 = arith.constant 0 : i32
    %dma_wait3A_148 = tpu.memref_slice %arg4[%add3A_19, %dma_wait3A_147] : memref<32768x2048xf32, #tpu.memory_space<hbm>> -> memref<256x2048xf32, #tpu.memory_space<hbm>>
    tpu.wait_dma2 semaphore(%arg7 : memref<!tpu.dma_semaphore, #tpu.memory_space<semaphore_mem>>) src(%arg5 : memref<256x2048xf32, #tpu.memory_space<vmem_shared>>) dst(%dma_wait3A_148 : memref<256x2048xf32, #tpu.memory_space<hbm>>)
    %dma_wait3A_149 = arith.constant 0 : i32
    %dma_wait3A_150 = tpu.memref_slice %arg4[%add3A_23, %dma_wait3A_149] : memref<32768x2048xf32, #tpu.memory_space<hbm>> -> memref<256x2048xf32, #tpu.memory_space<hbm>>
    tpu.wait_dma2 semaphore(%arg7 : memref<!tpu.dma_semaphore, #tpu.memory_space<semaphore_mem>>) src(%arg5 : memref<256x2048xf32, #tpu.memory_space<vmem_shared>>) dst(%dma_wait3A_150 : memref<256x2048xf32, #tpu.memory_space<hbm>>)
    %dma_wait3A_151 = arith.constant 0 : i32
    %dma_wait3A_152 = tpu.memref_slice %arg4[%add3A_27, %dma_wait3A_151] : memref<32768x2048xf32, #tpu.memory_space<hbm>> -> memref<256x2048xf32, #tpu.memory_space<hbm>>
    tpu.wait_dma2 semaphore(%arg7 : memref<!tpu.dma_semaphore, #tpu.memory_space<semaphore_mem>>) src(%arg5 : memref<256x2048xf32, #tpu.memory_space<vmem_shared>>) dst(%dma_wait3A_152 : memref<256x2048xf32, #tpu.memory_space<hbm>>)
    %dma_wait3A_153 = arith.constant 0 : i32
    %dma_wait3A_154 = tpu.memref_slice %arg4[%add3A_31, %dma_wait3A_153] : memref<32768x2048xf32, #tpu.memory_space<hbm>> -> memref<256x2048xf32, #tpu.memory_space<hbm>>
    tpu.wait_dma2 semaphore(%arg7 : memref<!tpu.dma_semaphore, #tpu.memory_space<semaphore_mem>>) src(%arg5 : memref<256x2048xf32, #tpu.memory_space<vmem_shared>>) dst(%dma_wait3A_154 : memref<256x2048xf32, #tpu.memory_space<hbm>>)
    %dma_wait3A_155 = arith.constant 0 : i32
    %dma_wait3A_156 = tpu.memref_slice %arg4[%add3A_35, %dma_wait3A_155] : memref<32768x2048xf32, #tpu.memory_space<hbm>> -> memref<256x2048xf32, #tpu.memory_space<hbm>>
    tpu.wait_dma2 semaphore(%arg7 : memref<!tpu.dma_semaphore, #tpu.memory_space<semaphore_mem>>) src(%arg5 : memref<256x2048xf32, #tpu.memory_space<vmem_shared>>) dst(%dma_wait3A_156 : memref<256x2048xf32, #tpu.memory_space<hbm>>)
    %dma_wait3A_157 = arith.constant 0 : i32
    %dma_wait3A_158 = tpu.memref_slice %arg4[%add3A_39, %dma_wait3A_157] : memref<32768x2048xf32, #tpu.memory_space<hbm>> -> memref<256x2048xf32, #tpu.memory_space<hbm>>
    tpu.wait_dma2 semaphore(%arg7 : memref<!tpu.dma_semaphore, #tpu.memory_space<semaphore_mem>>) src(%arg5 : memref<256x2048xf32, #tpu.memory_space<vmem_shared>>) dst(%dma_wait3A_158 : memref<256x2048xf32, #tpu.memory_space<hbm>>)
    %dma_wait3A_159 = arith.constant 0 : i32
    %dma_wait3A_160 = tpu.memref_slice %arg4[%add3A_43, %dma_wait3A_159] : memref<32768x2048xf32, #tpu.memory_space<hbm>> -> memref<256x2048xf32, #tpu.memory_space<hbm>>
    tpu.wait_dma2 semaphore(%arg7 : memref<!tpu.dma_semaphore, #tpu.memory_space<semaphore_mem>>) src(%arg5 : memref<256x2048xf32, #tpu.memory_space<vmem_shared>>) dst(%dma_wait3A_160 : memref<256x2048xf32, #tpu.memory_space<hbm>>)
    %dma_wait3A_161 = arith.constant 0 : i32
    %dma_wait3A_162 = tpu.memref_slice %arg4[%add3A_47, %dma_wait3A_161] : memref<32768x2048xf32, #tpu.memory_space<hbm>> -> memref<256x2048xf32, #tpu.memory_space<hbm>>
    tpu.wait_dma2 semaphore(%arg7 : memref<!tpu.dma_semaphore, #tpu.memory_space<semaphore_mem>>) src(%arg5 : memref<256x2048xf32, #tpu.memory_space<vmem_shared>>) dst(%dma_wait3A_162 : memref<256x2048xf32, #tpu.memory_space<hbm>>)
    %dma_wait3A_163 = arith.constant 0 : i32
    %dma_wait3A_164 = tpu.memref_slice %arg4[%add3A_51, %dma_wait3A_163] : memref<32768x2048xf32, #tpu.memory_space<hbm>> -> memref<256x2048xf32, #tpu.memory_space<hbm>>
    tpu.wait_dma2 semaphore(%arg7 : memref<!tpu.dma_semaphore, #tpu.memory_space<semaphore_mem>>) src(%arg5 : memref<256x2048xf32, #tpu.memory_space<vmem_shared>>) dst(%dma_wait3A_164 : memref<256x2048xf32, #tpu.memory_space<hbm>>)
    %dma_wait3A_165 = arith.constant 0 : i32
    %dma_wait3A_166 = tpu.memref_slice %arg4[%add3A_55, %dma_wait3A_165] : memref<32768x2048xf32, #tpu.memory_space<hbm>> -> memref<256x2048xf32, #tpu.memory_space<hbm>>
    tpu.wait_dma2 semaphore(%arg7 : memref<!tpu.dma_semaphore, #tpu.memory_space<semaphore_mem>>) src(%arg5 : memref<256x2048xf32, #tpu.memory_space<vmem_shared>>) dst(%dma_wait3A_166 : memref<256x2048xf32, #tpu.memory_space<hbm>>)
    %dma_wait3A_167 = arith.constant 0 : i32
    %dma_wait3A_168 = tpu.memref_slice %arg4[%add3A_59, %dma_wait3A_167] : memref<32768x2048xf32, #tpu.memory_space<hbm>> -> memref<256x2048xf32, #tpu.memory_space<hbm>>
    tpu.wait_dma2 semaphore(%arg7 : memref<!tpu.dma_semaphore, #tpu.memory_space<semaphore_mem>>) src(%arg5 : memref<256x2048xf32, #tpu.memory_space<vmem_shared>>) dst(%dma_wait3A_168 : memref<256x2048xf32, #tpu.memory_space<hbm>>)
    %dma_wait3A_169 = arith.constant 0 : i32
    %dma_wait3A_170 = tpu.memref_slice %arg4[%add3A_63, %dma_wait3A_169] : memref<32768x2048xf32, #tpu.memory_space<hbm>> -> memref<104x2048xf32, #tpu.memory_space<hbm>>
    %dma_wait3A_171 = arith.constant 0 : i32
    %dma_wait3A_172 = arith.constant 0 : i32
    %dma_wait3A_173 = tpu.memref_slice %arg5[%dma_wait3A_171, %dma_wait3A_172] : memref<256x2048xf32, #tpu.memory_space<vmem_shared>> -> memref<104x2048xf32, #tpu.memory_space<vmem_shared>>
    tpu.wait_dma2 semaphore(%arg7 : memref<!tpu.dma_semaphore, #tpu.memory_space<semaphore_mem>>) src(%dma_wait3A_173 : memref<104x2048xf32, #tpu.memory_space<vmem_shared>>) dst(%dma_wait3A_170 : memref<104x2048xf32, #tpu.memory_space<hbm>>)
    %add3A_174 = arith.constant 15560 : i32
    %add3A_175 = arith.addi %add3A_174, %min3A_5 : i32
    %eq3A_176 = arith.constant 0 : i32
    %eq3A_177 = arith.cmpi eq, %arg0, %eq3A_176 : i32
    %convert_element_type3A_178 = arith.extui %eq3A_177 : i1 to i32
    %cond3A_179 = arith.constant 0 : i32
    %cond3A_180 = arith.cmpi ne, %convert_element_type3A_178, %cond3A_179 : i32
    scf.if %cond3A_180 {
      "tpu.region"() ({
        %run_scoped3A = tpu.sem_alloc : memref<!tpu.dma_semaphore, #tpu.memory_space<semaphore_mem>>
        %dma_start3A_439 = arith.constant 0 : i32
        %dma_start3A_440 = arith.constant 0 : i32
        %dma_start3A_441 = tpu.memref_slice %arg6[%dma_start3A_439, %dma_start3A_440] : memref<416x2048xf32, #tpu.memory_space<vmem_shared>> -> memref<8x2048xf32, #tpu.memory_space<vmem_shared>>
        %dma_start3A_442 = arith.constant 8 : i32
        %dma_start3A_443 = arith.constant 0 : i32
        %dma_start3A_444 = tpu.memref_slice %arg3[%dma_start3A_442, %dma_start3A_443] : memref<32x2048xf32, #tpu.memory_space<hbm>> -> memref<8x2048xf32, #tpu.memory_space<hbm>>
        tpu.enqueue_dma source(%dma_start3A_444 : memref<8x2048xf32, #tpu.memory_space<hbm>>) target(%dma_start3A_441 : memref<8x2048xf32, #tpu.memory_space<vmem_shared>>) target_semaphore(%run_scoped3A : memref<!tpu.dma_semaphore, #tpu.memory_space<semaphore_mem>>)
        %dma_wait3A_445 = arith.constant 0 : i32
        %dma_wait3A_446 = arith.constant 0 : i32
        %dma_wait3A_447 = tpu.memref_slice %arg6[%dma_wait3A_445, %dma_wait3A_446] : memref<416x2048xf32, #tpu.memory_space<vmem_shared>> -> memref<8x2048xf32, #tpu.memory_space<vmem_shared>>
        %dma_wait3A_448 = arith.constant 8 : i32
        %dma_wait3A_449 = arith.constant 0 : i32
        %dma_wait3A_450 = tpu.memref_slice %arg3[%dma_wait3A_448, %dma_wait3A_449] : memref<32x2048xf32, #tpu.memory_space<hbm>> -> memref<8x2048xf32, #tpu.memory_space<hbm>>
        tpu.wait_dma2 semaphore(%run_scoped3A : memref<!tpu.dma_semaphore, #tpu.memory_space<semaphore_mem>>) src(%dma_wait3A_450 : memref<8x2048xf32, #tpu.memory_space<hbm>>) dst(%dma_wait3A_447 : memref<8x2048xf32, #tpu.memory_space<vmem_shared>>)
        tpu.yield
      }) : () -> ()
      "tpu.region"() ({
        %run_scoped3A = tpu.sem_alloc : memref<!tpu.dma_semaphore, #tpu.memory_space<semaphore_mem>>
        %dma_start3A_439 = arith.constant 8 : i32
        %dma_start3A_440 = arith.constant 0 : i32
        %dma_start3A_441 = tpu.memref_slice %arg6[%dma_start3A_439, %dma_start3A_440] : memref<416x2048xf32, #tpu.memory_space<vmem_shared>> -> memref<408x2048xf32, #tpu.memory_space<vmem_shared>>
        %dma_start3A_442 = arith.constant 15568 : i32
        %dma_start3A_443 = arith.constant 0 : i32
        %dma_start3A_444 = tpu.memref_slice %arg1[%dma_start3A_442, %dma_start3A_443] : memref<32768x2048xf32, #tpu.memory_space<hbm>> -> memref<408x2048xf32, #tpu.memory_space<hbm>>
        tpu.enqueue_dma source(%dma_start3A_444 : memref<408x2048xf32, #tpu.memory_space<hbm>>) target(%dma_start3A_441 : memref<408x2048xf32, #tpu.memory_space<vmem_shared>>) target_semaphore(%run_scoped3A : memref<!tpu.dma_semaphore, #tpu.memory_space<semaphore_mem>>)
        %dma_wait3A_445 = arith.constant 8 : i32
        %dma_wait3A_446 = arith.constant 0 : i32
        %dma_wait3A_447 = tpu.memref_slice %arg6[%dma_wait3A_445, %dma_wait3A_446] : memref<416x2048xf32, #tpu.memory_space<vmem_shared>> -> memref<408x2048xf32, #tpu.memory_space<vmem_shared>>
        %dma_wait3A_448 = arith.constant 15568 : i32
        %dma_wait3A_449 = arith.constant 0 : i32
        %dma_wait3A_450 = tpu.memref_slice %arg1[%dma_wait3A_448, %dma_wait3A_449] : memref<32768x2048xf32, #tpu.memory_space<hbm>> -> memref<408x2048xf32, #tpu.memory_space<hbm>>
        tpu.wait_dma2 semaphore(%run_scoped3A : memref<!tpu.dma_semaphore, #tpu.memory_space<semaphore_mem>>) src(%dma_wait3A_450 : memref<408x2048xf32, #tpu.memory_space<hbm>>) dst(%dma_wait3A_447 : memref<408x2048xf32, #tpu.memory_space<vmem_shared>>)
        tpu.yield
      }) : () -> ()
    } else {
    }
    %ne3A_181 = arith.constant 0 : i32
    %ne3A_182 = arith.cmpi ne, %arg0, %ne3A_181 : i32
    %convert_element_type3A_183 = arith.extui %ne3A_182 : i1 to i32
    %cond3A_184 = arith.constant 0 : i32
    %cond3A_185 = arith.cmpi ne, %convert_element_type3A_183, %cond3A_184 : i32
    scf.if %cond3A_185 {
      "tpu.region"() ({
        %run_scoped3A = tpu.sem_alloc : memref<!tpu.dma_semaphore, #tpu.memory_space<semaphore_mem>>
        %dma_start3A_439 = arith.constant 0 : i32
        %dma_start3A_440 = tpu.memref_slice %arg1[%add3A_175, %dma_start3A_439] : memref<32768x2048xf32, #tpu.memory_space<hbm>> -> memref<416x2048xf32, #tpu.memory_space<hbm>>
        tpu.enqueue_dma source(%dma_start3A_440 : memref<416x2048xf32, #tpu.memory_space<hbm>>) target(%arg6 : memref<416x2048xf32, #tpu.memory_space<vmem_shared>>) target_semaphore(%run_scoped3A : memref<!tpu.dma_semaphore, #tpu.memory_space<semaphore_mem>>)
        %dma_wait3A_441 = arith.constant 0 : i32
        %dma_wait3A_442 = tpu.memref_slice %arg1[%add3A_175, %dma_wait3A_441] : memref<32768x2048xf32, #tpu.memory_space<hbm>> -> memref<416x2048xf32, #tpu.memory_space<hbm>>
        tpu.wait_dma2 semaphore(%run_scoped3A : memref<!tpu.dma_semaphore, #tpu.memory_space<semaphore_mem>>) src(%dma_wait3A_442 : memref<416x2048xf32, #tpu.memory_space<hbm>>) dst(%arg6 : memref<416x2048xf32, #tpu.memory_space<vmem_shared>>)
        tpu.yield
      }) : () -> ()
    } else {
    }
    "tpu.region"() ({
      %run_scoped3A = tpu.sem_alloc : memref<!tpu.dma_semaphore, #tpu.memory_space<semaphore_mem>>
      %dma_start3A_439 = arith.constant 0 : i32
      %dma_start3A_440 = tpu.memref_slice %arg4[%add3A_175, %dma_start3A_439] : memref<32768x2048xf32, #tpu.memory_space<hbm>> -> memref<416x2048xf32, #tpu.memory_space<hbm>>
      tpu.enqueue_dma source(%arg6 : memref<416x2048xf32, #tpu.memory_space<vmem_shared>>) target(%dma_start3A_440 : memref<416x2048xf32, #tpu.memory_space<hbm>>) target_semaphore(%run_scoped3A : memref<!tpu.dma_semaphore, #tpu.memory_space<semaphore_mem>>)
      %dma_wait3A_441 = arith.constant 0 : i32
      %dma_wait3A_442 = tpu.memref_slice %arg4[%add3A_175, %dma_wait3A_441] : memref<32768x2048xf32, #tpu.memory_space<hbm>> -> memref<416x2048xf32, #tpu.memory_space<hbm>>
      tpu.wait_dma2 semaphore(%run_scoped3A : memref<!tpu.dma_semaphore, #tpu.memory_space<semaphore_mem>>) src(%arg6 : memref<416x2048xf32, #tpu.memory_space<vmem_shared>>) dst(%dma_wait3A_442 : memref<416x2048xf32, #tpu.memory_space<hbm>>)
      tpu.yield
    }) : () -> ()
    %add3A_186 = arith.constant 16384 : i32
    %add3A_187 = arith.addi %add3A_186, %min3A_1 : i32
    %add3A_188 = arith.constant 0 : i32
    %add3A_189 = arith.addi %add3A_187, %add3A_188 : i32
    %dma_start3A_190 = arith.constant 0 : i32
    %dma_start3A_191 = tpu.memref_slice %arg4[%add3A_189, %dma_start3A_190] : memref<32768x2048xf32, #tpu.memory_space<hbm>> -> memref<256x2048xf32, #tpu.memory_space<hbm>>
    tpu.enqueue_dma source(%arg5 : memref<256x2048xf32, #tpu.memory_space<vmem_shared>>) target(%dma_start3A_191 : memref<256x2048xf32, #tpu.memory_space<hbm>>) target_semaphore(%arg7 : memref<!tpu.dma_semaphore, #tpu.memory_space<semaphore_mem>>)
    %add3A_192 = arith.constant 256 : i32
    %add3A_193 = arith.addi %add3A_187, %add3A_192 : i32
    %dma_start3A_194 = arith.constant 0 : i32
    %dma_start3A_195 = tpu.memref_slice %arg4[%add3A_193, %dma_start3A_194] : memref<32768x2048xf32, #tpu.memory_space<hbm>> -> memref<256x2048xf32, #tpu.memory_space<hbm>>
    tpu.enqueue_dma source(%arg5 : memref<256x2048xf32, #tpu.memory_space<vmem_shared>>) target(%dma_start3A_195 : memref<256x2048xf32, #tpu.memory_space<hbm>>) target_semaphore(%arg7 : memref<!tpu.dma_semaphore, #tpu.memory_space<semaphore_mem>>)
    %add3A_196 = arith.constant 512 : i32
    %add3A_197 = arith.addi %add3A_187, %add3A_196 : i32
    %dma_start3A_198 = arith.constant 0 : i32
    %dma_start3A_199 = tpu.memref_slice %arg4[%add3A_197, %dma_start3A_198] : memref<32768x2048xf32, #tpu.memory_space<hbm>> -> memref<256x2048xf32, #tpu.memory_space<hbm>>
    tpu.enqueue_dma source(%arg5 : memref<256x2048xf32, #tpu.memory_space<vmem_shared>>) target(%dma_start3A_199 : memref<256x2048xf32, #tpu.memory_space<hbm>>) target_semaphore(%arg7 : memref<!tpu.dma_semaphore, #tpu.memory_space<semaphore_mem>>)
    %add3A_200 = arith.constant 768 : i32
    %add3A_201 = arith.addi %add3A_187, %add3A_200 : i32
    %dma_start3A_202 = arith.constant 0 : i32
    %dma_start3A_203 = tpu.memref_slice %arg4[%add3A_201, %dma_start3A_202] : memref<32768x2048xf32, #tpu.memory_space<hbm>> -> memref<256x2048xf32, #tpu.memory_space<hbm>>
    tpu.enqueue_dma source(%arg5 : memref<256x2048xf32, #tpu.memory_space<vmem_shared>>) target(%dma_start3A_203 : memref<256x2048xf32, #tpu.memory_space<hbm>>) target_semaphore(%arg7 : memref<!tpu.dma_semaphore, #tpu.memory_space<semaphore_mem>>)
    %add3A_204 = arith.constant 1024 : i32
    %add3A_205 = arith.addi %add3A_187, %add3A_204 : i32
    %dma_start3A_206 = arith.constant 0 : i32
    %dma_start3A_207 = tpu.memref_slice %arg4[%add3A_205, %dma_start3A_206] : memref<32768x2048xf32, #tpu.memory_space<hbm>> -> memref<256x2048xf32, #tpu.memory_space<hbm>>
    tpu.enqueue_dma source(%arg5 : memref<256x2048xf32, #tpu.memory_space<vmem_shared>>) target(%dma_start3A_207 : memref<256x2048xf32, #tpu.memory_space<hbm>>) target_semaphore(%arg7 : memref<!tpu.dma_semaphore, #tpu.memory_space<semaphore_mem>>)
    %add3A_208 = arith.constant 1280 : i32
    %add3A_209 = arith.addi %add3A_187, %add3A_208 : i32
    %dma_start3A_210 = arith.constant 0 : i32
    %dma_start3A_211 = tpu.memref_slice %arg4[%add3A_209, %dma_start3A_210] : memref<32768x2048xf32, #tpu.memory_space<hbm>> -> memref<256x2048xf32, #tpu.memory_space<hbm>>
    tpu.enqueue_dma source(%arg5 : memref<256x2048xf32, #tpu.memory_space<vmem_shared>>) target(%dma_start3A_211 : memref<256x2048xf32, #tpu.memory_space<hbm>>) target_semaphore(%arg7 : memref<!tpu.dma_semaphore, #tpu.memory_space<semaphore_mem>>)
    %add3A_212 = arith.constant 1536 : i32
    %add3A_213 = arith.addi %add3A_187, %add3A_212 : i32
    %dma_start3A_214 = arith.constant 0 : i32
    %dma_start3A_215 = tpu.memref_slice %arg4[%add3A_213, %dma_start3A_214] : memref<32768x2048xf32, #tpu.memory_space<hbm>> -> memref<256x2048xf32, #tpu.memory_space<hbm>>
    tpu.enqueue_dma source(%arg5 : memref<256x2048xf32, #tpu.memory_space<vmem_shared>>) target(%dma_start3A_215 : memref<256x2048xf32, #tpu.memory_space<hbm>>) target_semaphore(%arg7 : memref<!tpu.dma_semaphore, #tpu.memory_space<semaphore_mem>>)
    %add3A_216 = arith.constant 1792 : i32
    %add3A_217 = arith.addi %add3A_187, %add3A_216 : i32
    %dma_start3A_218 = arith.constant 0 : i32
    %dma_start3A_219 = tpu.memref_slice %arg4[%add3A_217, %dma_start3A_218] : memref<32768x2048xf32, #tpu.memory_space<hbm>> -> memref<256x2048xf32, #tpu.memory_space<hbm>>
    tpu.enqueue_dma source(%arg5 : memref<256x2048xf32, #tpu.memory_space<vmem_shared>>) target(%dma_start3A_219 : memref<256x2048xf32, #tpu.memory_space<hbm>>) target_semaphore(%arg7 : memref<!tpu.dma_semaphore, #tpu.memory_space<semaphore_mem>>)
    %add3A_220 = arith.constant 2048 : i32
    %add3A_221 = arith.addi %add3A_187, %add3A_220 : i32
    %dma_start3A_222 = arith.constant 0 : i32
    %dma_start3A_223 = tpu.memref_slice %arg4[%add3A_221, %dma_start3A_222] : memref<32768x2048xf32, #tpu.memory_space<hbm>> -> memref<256x2048xf32, #tpu.memory_space<hbm>>
    tpu.enqueue_dma source(%arg5 : memref<256x2048xf32, #tpu.memory_space<vmem_shared>>) target(%dma_start3A_223 : memref<256x2048xf32, #tpu.memory_space<hbm>>) target_semaphore(%arg7 : memref<!tpu.dma_semaphore, #tpu.memory_space<semaphore_mem>>)
    %add3A_224 = arith.constant 2304 : i32
    %add3A_225 = arith.addi %add3A_187, %add3A_224 : i32
    %dma_start3A_226 = arith.constant 0 : i32
    %dma_start3A_227 = tpu.memref_slice %arg4[%add3A_225, %dma_start3A_226] : memref<32768x2048xf32, #tpu.memory_space<hbm>> -> memref<256x2048xf32, #tpu.memory_space<hbm>>
    tpu.enqueue_dma source(%arg5 : memref<256x2048xf32, #tpu.memory_space<vmem_shared>>) target(%dma_start3A_227 : memref<256x2048xf32, #tpu.memory_space<hbm>>) target_semaphore(%arg7 : memref<!tpu.dma_semaphore, #tpu.memory_space<semaphore_mem>>)
    %add3A_228 = arith.constant 2560 : i32
    %add3A_229 = arith.addi %add3A_187, %add3A_228 : i32
    %dma_start3A_230 = arith.constant 0 : i32
    %dma_start3A_231 = tpu.memref_slice %arg4[%add3A_229, %dma_start3A_230] : memref<32768x2048xf32, #tpu.memory_space<hbm>> -> memref<256x2048xf32, #tpu.memory_space<hbm>>
    tpu.enqueue_dma source(%arg5 : memref<256x2048xf32, #tpu.memory_space<vmem_shared>>) target(%dma_start3A_231 : memref<256x2048xf32, #tpu.memory_space<hbm>>) target_semaphore(%arg7 : memref<!tpu.dma_semaphore, #tpu.memory_space<semaphore_mem>>)
    %add3A_232 = arith.constant 2816 : i32
    %add3A_233 = arith.addi %add3A_187, %add3A_232 : i32
    %dma_start3A_234 = arith.constant 0 : i32
    %dma_start3A_235 = tpu.memref_slice %arg4[%add3A_233, %dma_start3A_234] : memref<32768x2048xf32, #tpu.memory_space<hbm>> -> memref<256x2048xf32, #tpu.memory_space<hbm>>
    tpu.enqueue_dma source(%arg5 : memref<256x2048xf32, #tpu.memory_space<vmem_shared>>) target(%dma_start3A_235 : memref<256x2048xf32, #tpu.memory_space<hbm>>) target_semaphore(%arg7 : memref<!tpu.dma_semaphore, #tpu.memory_space<semaphore_mem>>)
    %add3A_236 = arith.constant 3072 : i32
    %add3A_237 = arith.addi %add3A_187, %add3A_236 : i32
    %dma_start3A_238 = arith.constant 0 : i32
    %dma_start3A_239 = tpu.memref_slice %arg4[%add3A_237, %dma_start3A_238] : memref<32768x2048xf32, #tpu.memory_space<hbm>> -> memref<256x2048xf32, #tpu.memory_space<hbm>>
    tpu.enqueue_dma source(%arg5 : memref<256x2048xf32, #tpu.memory_space<vmem_shared>>) target(%dma_start3A_239 : memref<256x2048xf32, #tpu.memory_space<hbm>>) target_semaphore(%arg7 : memref<!tpu.dma_semaphore, #tpu.memory_space<semaphore_mem>>)
    %add3A_240 = arith.constant 3328 : i32
    %add3A_241 = arith.addi %add3A_187, %add3A_240 : i32
    %dma_start3A_242 = arith.constant 0 : i32
    %dma_start3A_243 = tpu.memref_slice %arg4[%add3A_241, %dma_start3A_242] : memref<32768x2048xf32, #tpu.memory_space<hbm>> -> memref<256x2048xf32, #tpu.memory_space<hbm>>
    tpu.enqueue_dma source(%arg5 : memref<256x2048xf32, #tpu.memory_space<vmem_shared>>) target(%dma_start3A_243 : memref<256x2048xf32, #tpu.memory_space<hbm>>) target_semaphore(%arg7 : memref<!tpu.dma_semaphore, #tpu.memory_space<semaphore_mem>>)
    %add3A_244 = arith.constant 3584 : i32
    %add3A_245 = arith.addi %add3A_187, %add3A_244 : i32
    %dma_start3A_246 = arith.constant 0 : i32
    %dma_start3A_247 = tpu.memref_slice %arg4[%add3A_245, %dma_start3A_246] : memref<32768x2048xf32, #tpu.memory_space<hbm>> -> memref<104x2048xf32, #tpu.memory_space<hbm>>
    %dma_start3A_248 = arith.constant 0 : i32
    %dma_start3A_249 = arith.constant 0 : i32
    %dma_start3A_250 = tpu.memref_slice %arg5[%dma_start3A_248, %dma_start3A_249] : memref<256x2048xf32, #tpu.memory_space<vmem_shared>> -> memref<104x2048xf32, #tpu.memory_space<vmem_shared>>
    tpu.enqueue_dma source(%dma_start3A_250 : memref<104x2048xf32, #tpu.memory_space<vmem_shared>>) target(%dma_start3A_247 : memref<104x2048xf32, #tpu.memory_space<hbm>>) target_semaphore(%arg7 : memref<!tpu.dma_semaphore, #tpu.memory_space<semaphore_mem>>)
    %dma_wait3A_251 = arith.constant 0 : i32
    %dma_wait3A_252 = tpu.memref_slice %arg4[%add3A_80, %dma_wait3A_251] : memref<32768x2048xf32, #tpu.memory_space<hbm>> -> memref<256x2048xf32, #tpu.memory_space<hbm>>
    tpu.wait_dma2 semaphore(%arg7 : memref<!tpu.dma_semaphore, #tpu.memory_space<semaphore_mem>>) src(%arg5 : memref<256x2048xf32, #tpu.memory_space<vmem_shared>>) dst(%dma_wait3A_252 : memref<256x2048xf32, #tpu.memory_space<hbm>>)
    %dma_wait3A_253 = arith.constant 0 : i32
    %dma_wait3A_254 = tpu.memref_slice %arg4[%add3A_84, %dma_wait3A_253] : memref<32768x2048xf32, #tpu.memory_space<hbm>> -> memref<256x2048xf32, #tpu.memory_space<hbm>>
    tpu.wait_dma2 semaphore(%arg7 : memref<!tpu.dma_semaphore, #tpu.memory_space<semaphore_mem>>) src(%arg5 : memref<256x2048xf32, #tpu.memory_space<vmem_shared>>) dst(%dma_wait3A_254 : memref<256x2048xf32, #tpu.memory_space<hbm>>)
    %dma_wait3A_255 = arith.constant 0 : i32
    %dma_wait3A_256 = tpu.memref_slice %arg4[%add3A_88, %dma_wait3A_255] : memref<32768x2048xf32, #tpu.memory_space<hbm>> -> memref<256x2048xf32, #tpu.memory_space<hbm>>
    tpu.wait_dma2 semaphore(%arg7 : memref<!tpu.dma_semaphore, #tpu.memory_space<semaphore_mem>>) src(%arg5 : memref<256x2048xf32, #tpu.memory_space<vmem_shared>>) dst(%dma_wait3A_256 : memref<256x2048xf32, #tpu.memory_space<hbm>>)
    %dma_wait3A_257 = arith.constant 0 : i32
    %dma_wait3A_258 = tpu.memref_slice %arg4[%add3A_92, %dma_wait3A_257] : memref<32768x2048xf32, #tpu.memory_space<hbm>> -> memref<256x2048xf32, #tpu.memory_space<hbm>>
    tpu.wait_dma2 semaphore(%arg7 : memref<!tpu.dma_semaphore, #tpu.memory_space<semaphore_mem>>) src(%arg5 : memref<256x2048xf32, #tpu.memory_space<vmem_shared>>) dst(%dma_wait3A_258 : memref<256x2048xf32, #tpu.memory_space<hbm>>)
    %dma_wait3A_259 = arith.constant 0 : i32
    %dma_wait3A_260 = tpu.memref_slice %arg4[%add3A_96, %dma_wait3A_259] : memref<32768x2048xf32, #tpu.memory_space<hbm>> -> memref<256x2048xf32, #tpu.memory_space<hbm>>
    tpu.wait_dma2 semaphore(%arg7 : memref<!tpu.dma_semaphore, #tpu.memory_space<semaphore_mem>>) src(%arg5 : memref<256x2048xf32, #tpu.memory_space<vmem_shared>>) dst(%dma_wait3A_260 : memref<256x2048xf32, #tpu.memory_space<hbm>>)
    %dma_wait3A_261 = arith.constant 0 : i32
    %dma_wait3A_262 = tpu.memref_slice %arg4[%add3A_100, %dma_wait3A_261] : memref<32768x2048xf32, #tpu.memory_space<hbm>> -> memref<256x2048xf32, #tpu.memory_space<hbm>>
    tpu.wait_dma2 semaphore(%arg7 : memref<!tpu.dma_semaphore, #tpu.memory_space<semaphore_mem>>) src(%arg5 : memref<256x2048xf32, #tpu.memory_space<vmem_shared>>) dst(%dma_wait3A_262 : memref<256x2048xf32, #tpu.memory_space<hbm>>)
    %dma_wait3A_263 = arith.constant 0 : i32
    %dma_wait3A_264 = tpu.memref_slice %arg4[%add3A_104, %dma_wait3A_263] : memref<32768x2048xf32, #tpu.memory_space<hbm>> -> memref<256x2048xf32, #tpu.memory_space<hbm>>
    tpu.wait_dma2 semaphore(%arg7 : memref<!tpu.dma_semaphore, #tpu.memory_space<semaphore_mem>>) src(%arg5 : memref<256x2048xf32, #tpu.memory_space<vmem_shared>>) dst(%dma_wait3A_264 : memref<256x2048xf32, #tpu.memory_space<hbm>>)
    %dma_wait3A_265 = arith.constant 0 : i32
    %dma_wait3A_266 = tpu.memref_slice %arg4[%add3A_108, %dma_wait3A_265] : memref<32768x2048xf32, #tpu.memory_space<hbm>> -> memref<256x2048xf32, #tpu.memory_space<hbm>>
    tpu.wait_dma2 semaphore(%arg7 : memref<!tpu.dma_semaphore, #tpu.memory_space<semaphore_mem>>) src(%arg5 : memref<256x2048xf32, #tpu.memory_space<vmem_shared>>) dst(%dma_wait3A_266 : memref<256x2048xf32, #tpu.memory_space<hbm>>)
    %dma_wait3A_267 = arith.constant 0 : i32
    %dma_wait3A_268 = tpu.memref_slice %arg4[%add3A_112, %dma_wait3A_267] : memref<32768x2048xf32, #tpu.memory_space<hbm>> -> memref<256x2048xf32, #tpu.memory_space<hbm>>
    tpu.wait_dma2 semaphore(%arg7 : memref<!tpu.dma_semaphore, #tpu.memory_space<semaphore_mem>>) src(%arg5 : memref<256x2048xf32, #tpu.memory_space<vmem_shared>>) dst(%dma_wait3A_268 : memref<256x2048xf32, #tpu.memory_space<hbm>>)
    %dma_wait3A_269 = arith.constant 0 : i32
    %dma_wait3A_270 = tpu.memref_slice %arg4[%add3A_116, %dma_wait3A_269] : memref<32768x2048xf32, #tpu.memory_space<hbm>> -> memref<256x2048xf32, #tpu.memory_space<hbm>>
    tpu.wait_dma2 semaphore(%arg7 : memref<!tpu.dma_semaphore, #tpu.memory_space<semaphore_mem>>) src(%arg5 : memref<256x2048xf32, #tpu.memory_space<vmem_shared>>) dst(%dma_wait3A_270 : memref<256x2048xf32, #tpu.memory_space<hbm>>)
    %dma_wait3A_271 = arith.constant 0 : i32
    %dma_wait3A_272 = tpu.memref_slice %arg4[%add3A_120, %dma_wait3A_271] : memref<32768x2048xf32, #tpu.memory_space<hbm>> -> memref<256x2048xf32, #tpu.memory_space<hbm>>
    tpu.wait_dma2 semaphore(%arg7 : memref<!tpu.dma_semaphore, #tpu.memory_space<semaphore_mem>>) src(%arg5 : memref<256x2048xf32, #tpu.memory_space<vmem_shared>>) dst(%dma_wait3A_272 : memref<256x2048xf32, #tpu.memory_space<hbm>>)
    %dma_wait3A_273 = arith.constant 0 : i32
    %dma_wait3A_274 = tpu.memref_slice %arg4[%add3A_124, %dma_wait3A_273] : memref<32768x2048xf32, #tpu.memory_space<hbm>> -> memref<256x2048xf32, #tpu.memory_space<hbm>>
    tpu.wait_dma2 semaphore(%arg7 : memref<!tpu.dma_semaphore, #tpu.memory_space<semaphore_mem>>) src(%arg5 : memref<256x2048xf32, #tpu.memory_space<vmem_shared>>) dst(%dma_wait3A_274 : memref<256x2048xf32, #tpu.memory_space<hbm>>)
    %dma_wait3A_275 = arith.constant 0 : i32
    %dma_wait3A_276 = tpu.memref_slice %arg4[%add3A_128, %dma_wait3A_275] : memref<32768x2048xf32, #tpu.memory_space<hbm>> -> memref<256x2048xf32, #tpu.memory_space<hbm>>
    tpu.wait_dma2 semaphore(%arg7 : memref<!tpu.dma_semaphore, #tpu.memory_space<semaphore_mem>>) src(%arg5 : memref<256x2048xf32, #tpu.memory_space<vmem_shared>>) dst(%dma_wait3A_276 : memref<256x2048xf32, #tpu.memory_space<hbm>>)
    %dma_wait3A_277 = arith.constant 0 : i32
    %dma_wait3A_278 = tpu.memref_slice %arg4[%add3A_132, %dma_wait3A_277] : memref<32768x2048xf32, #tpu.memory_space<hbm>> -> memref<256x2048xf32, #tpu.memory_space<hbm>>
    tpu.wait_dma2 semaphore(%arg7 : memref<!tpu.dma_semaphore, #tpu.memory_space<semaphore_mem>>) src(%arg5 : memref<256x2048xf32, #tpu.memory_space<vmem_shared>>) dst(%dma_wait3A_278 : memref<256x2048xf32, #tpu.memory_space<hbm>>)
    %dma_wait3A_279 = arith.constant 0 : i32
    %dma_wait3A_280 = tpu.memref_slice %arg4[%add3A_136, %dma_wait3A_279] : memref<32768x2048xf32, #tpu.memory_space<hbm>> -> memref<104x2048xf32, #tpu.memory_space<hbm>>
    %dma_wait3A_281 = arith.constant 0 : i32
    %dma_wait3A_282 = arith.constant 0 : i32
    %dma_wait3A_283 = tpu.memref_slice %arg5[%dma_wait3A_281, %dma_wait3A_282] : memref<256x2048xf32, #tpu.memory_space<vmem_shared>> -> memref<104x2048xf32, #tpu.memory_space<vmem_shared>>
    tpu.wait_dma2 semaphore(%arg7 : memref<!tpu.dma_semaphore, #tpu.memory_space<semaphore_mem>>) src(%dma_wait3A_283 : memref<104x2048xf32, #tpu.memory_space<vmem_shared>>) dst(%dma_wait3A_280 : memref<104x2048xf32, #tpu.memory_space<hbm>>)
    %add3A_284 = arith.constant 23752 : i32
    %add3A_285 = arith.addi %add3A_284, %min3A_5 : i32
    %eq3A_286 = arith.constant 0 : i32
    %eq3A_287 = arith.cmpi eq, %arg0, %eq3A_286 : i32
    %convert_element_type3A_288 = arith.extui %eq3A_287 : i1 to i32
    %cond3A_289 = arith.constant 0 : i32
    %cond3A_290 = arith.cmpi ne, %convert_element_type3A_288, %cond3A_289 : i32
    scf.if %cond3A_290 {
      "tpu.region"() ({
        %run_scoped3A = tpu.sem_alloc : memref<!tpu.dma_semaphore, #tpu.memory_space<semaphore_mem>>
        %dma_start3A_439 = arith.constant 0 : i32
        %dma_start3A_440 = arith.constant 0 : i32
        %dma_start3A_441 = tpu.memref_slice %arg6[%dma_start3A_439, %dma_start3A_440] : memref<416x2048xf32, #tpu.memory_space<vmem_shared>> -> memref<8x2048xf32, #tpu.memory_space<vmem_shared>>
        %dma_start3A_442 = arith.constant 16 : i32
        %dma_start3A_443 = arith.constant 0 : i32
        %dma_start3A_444 = tpu.memref_slice %arg3[%dma_start3A_442, %dma_start3A_443] : memref<32x2048xf32, #tpu.memory_space<hbm>> -> memref<8x2048xf32, #tpu.memory_space<hbm>>
        tpu.enqueue_dma source(%dma_start3A_444 : memref<8x2048xf32, #tpu.memory_space<hbm>>) target(%dma_start3A_441 : memref<8x2048xf32, #tpu.memory_space<vmem_shared>>) target_semaphore(%run_scoped3A : memref<!tpu.dma_semaphore, #tpu.memory_space<semaphore_mem>>)
        %dma_wait3A_445 = arith.constant 0 : i32
        %dma_wait3A_446 = arith.constant 0 : i32
        %dma_wait3A_447 = tpu.memref_slice %arg6[%dma_wait3A_445, %dma_wait3A_446] : memref<416x2048xf32, #tpu.memory_space<vmem_shared>> -> memref<8x2048xf32, #tpu.memory_space<vmem_shared>>
        %dma_wait3A_448 = arith.constant 16 : i32
        %dma_wait3A_449 = arith.constant 0 : i32
        %dma_wait3A_450 = tpu.memref_slice %arg3[%dma_wait3A_448, %dma_wait3A_449] : memref<32x2048xf32, #tpu.memory_space<hbm>> -> memref<8x2048xf32, #tpu.memory_space<hbm>>
        tpu.wait_dma2 semaphore(%run_scoped3A : memref<!tpu.dma_semaphore, #tpu.memory_space<semaphore_mem>>) src(%dma_wait3A_450 : memref<8x2048xf32, #tpu.memory_space<hbm>>) dst(%dma_wait3A_447 : memref<8x2048xf32, #tpu.memory_space<vmem_shared>>)
        tpu.yield
      }) : () -> ()
      "tpu.region"() ({
        %run_scoped3A = tpu.sem_alloc : memref<!tpu.dma_semaphore, #tpu.memory_space<semaphore_mem>>
        %dma_start3A_439 = arith.constant 8 : i32
        %dma_start3A_440 = arith.constant 0 : i32
        %dma_start3A_441 = tpu.memref_slice %arg6[%dma_start3A_439, %dma_start3A_440] : memref<416x2048xf32, #tpu.memory_space<vmem_shared>> -> memref<408x2048xf32, #tpu.memory_space<vmem_shared>>
        %dma_start3A_442 = arith.constant 23760 : i32
        %dma_start3A_443 = arith.constant 0 : i32
        %dma_start3A_444 = tpu.memref_slice %arg1[%dma_start3A_442, %dma_start3A_443] : memref<32768x2048xf32, #tpu.memory_space<hbm>> -> memref<408x2048xf32, #tpu.memory_space<hbm>>
        tpu.enqueue_dma source(%dma_start3A_444 : memref<408x2048xf32, #tpu.memory_space<hbm>>) target(%dma_start3A_441 : memref<408x2048xf32, #tpu.memory_space<vmem_shared>>) target_semaphore(%run_scoped3A : memref<!tpu.dma_semaphore, #tpu.memory_space<semaphore_mem>>)
        %dma_wait3A_445 = arith.constant 8 : i32
        %dma_wait3A_446 = arith.constant 0 : i32
        %dma_wait3A_447 = tpu.memref_slice %arg6[%dma_wait3A_445, %dma_wait3A_446] : memref<416x2048xf32, #tpu.memory_space<vmem_shared>> -> memref<408x2048xf32, #tpu.memory_space<vmem_shared>>
        %dma_wait3A_448 = arith.constant 23760 : i32
        %dma_wait3A_449 = arith.constant 0 : i32
        %dma_wait3A_450 = tpu.memref_slice %arg1[%dma_wait3A_448, %dma_wait3A_449] : memref<32768x2048xf32, #tpu.memory_space<hbm>> -> memref<408x2048xf32, #tpu.memory_space<hbm>>
        tpu.wait_dma2 semaphore(%run_scoped3A : memref<!tpu.dma_semaphore, #tpu.memory_space<semaphore_mem>>) src(%dma_wait3A_450 : memref<408x2048xf32, #tpu.memory_space<hbm>>) dst(%dma_wait3A_447 : memref<408x2048xf32, #tpu.memory_space<vmem_shared>>)
        tpu.yield
      }) : () -> ()
    } else {
    }
    %ne3A_291 = arith.constant 0 : i32
    %ne3A_292 = arith.cmpi ne, %arg0, %ne3A_291 : i32
    %convert_element_type3A_293 = arith.extui %ne3A_292 : i1 to i32
    %cond3A_294 = arith.constant 0 : i32
    %cond3A_295 = arith.cmpi ne, %convert_element_type3A_293, %cond3A_294 : i32
    scf.if %cond3A_295 {
      "tpu.region"() ({
        %run_scoped3A = tpu.sem_alloc : memref<!tpu.dma_semaphore, #tpu.memory_space<semaphore_mem>>
        %dma_start3A_439 = arith.constant 0 : i32
        %dma_start3A_440 = tpu.memref_slice %arg1[%add3A_285, %dma_start3A_439] : memref<32768x2048xf32, #tpu.memory_space<hbm>> -> memref<416x2048xf32, #tpu.memory_space<hbm>>
        tpu.enqueue_dma source(%dma_start3A_440 : memref<416x2048xf32, #tpu.memory_space<hbm>>) target(%arg6 : memref<416x2048xf32, #tpu.memory_space<vmem_shared>>) target_semaphore(%run_scoped3A : memref<!tpu.dma_semaphore, #tpu.memory_space<semaphore_mem>>)
        %dma_wait3A_441 = arith.constant 0 : i32
        %dma_wait3A_442 = tpu.memref_slice %arg1[%add3A_285, %dma_wait3A_441] : memref<32768x2048xf32, #tpu.memory_space<hbm>> -> memref<416x2048xf32, #tpu.memory_space<hbm>>
        tpu.wait_dma2 semaphore(%run_scoped3A : memref<!tpu.dma_semaphore, #tpu.memory_space<semaphore_mem>>) src(%dma_wait3A_442 : memref<416x2048xf32, #tpu.memory_space<hbm>>) dst(%arg6 : memref<416x2048xf32, #tpu.memory_space<vmem_shared>>)
        tpu.yield
      }) : () -> ()
    } else {
    }
    "tpu.region"() ({
      %run_scoped3A = tpu.sem_alloc : memref<!tpu.dma_semaphore, #tpu.memory_space<semaphore_mem>>
      %dma_start3A_439 = arith.constant 0 : i32
      %dma_start3A_440 = tpu.memref_slice %arg4[%add3A_285, %dma_start3A_439] : memref<32768x2048xf32, #tpu.memory_space<hbm>> -> memref<416x2048xf32, #tpu.memory_space<hbm>>
      tpu.enqueue_dma source(%arg6 : memref<416x2048xf32, #tpu.memory_space<vmem_shared>>) target(%dma_start3A_440 : memref<416x2048xf32, #tpu.memory_space<hbm>>) target_semaphore(%run_scoped3A : memref<!tpu.dma_semaphore, #tpu.memory_space<semaphore_mem>>)
      %dma_wait3A_441 = arith.constant 0 : i32
      %dma_wait3A_442 = tpu.memref_slice %arg4[%add3A_285, %dma_wait3A_441] : memref<32768x2048xf32, #tpu.memory_space<hbm>> -> memref<416x2048xf32, #tpu.memory_space<hbm>>
      tpu.wait_dma2 semaphore(%run_scoped3A : memref<!tpu.dma_semaphore, #tpu.memory_space<semaphore_mem>>) src(%arg6 : memref<416x2048xf32, #tpu.memory_space<vmem_shared>>) dst(%dma_wait3A_442 : memref<416x2048xf32, #tpu.memory_space<hbm>>)
      tpu.yield
    }) : () -> ()
    %add3A_296 = arith.constant 24576 : i32
    %add3A_297 = arith.addi %add3A_296, %min3A_1 : i32
    %add3A_298 = arith.constant 0 : i32
    %add3A_299 = arith.addi %add3A_297, %add3A_298 : i32
    %dma_start3A_300 = arith.constant 0 : i32
    %dma_start3A_301 = tpu.memref_slice %arg4[%add3A_299, %dma_start3A_300] : memref<32768x2048xf32, #tpu.memory_space<hbm>> -> memref<256x2048xf32, #tpu.memory_space<hbm>>
    tpu.enqueue_dma source(%arg5 : memref<256x2048xf32, #tpu.memory_space<vmem_shared>>) target(%dma_start3A_301 : memref<256x2048xf32, #tpu.memory_space<hbm>>) target_semaphore(%arg7 : memref<!tpu.dma_semaphore, #tpu.memory_space<semaphore_mem>>)
    %add3A_302 = arith.constant 256 : i32
    %add3A_303 = arith.addi %add3A_297, %add3A_302 : i32
    %dma_start3A_304 = arith.constant 0 : i32
    %dma_start3A_305 = tpu.memref_slice %arg4[%add3A_303, %dma_start3A_304] : memref<32768x2048xf32, #tpu.memory_space<hbm>> -> memref<256x2048xf32, #tpu.memory_space<hbm>>
    tpu.enqueue_dma source(%arg5 : memref<256x2048xf32, #tpu.memory_space<vmem_shared>>) target(%dma_start3A_305 : memref<256x2048xf32, #tpu.memory_space<hbm>>) target_semaphore(%arg7 : memref<!tpu.dma_semaphore, #tpu.memory_space<semaphore_mem>>)
    %add3A_306 = arith.constant 512 : i32
    %add3A_307 = arith.addi %add3A_297, %add3A_306 : i32
    %dma_start3A_308 = arith.constant 0 : i32
    %dma_start3A_309 = tpu.memref_slice %arg4[%add3A_307, %dma_start3A_308] : memref<32768x2048xf32, #tpu.memory_space<hbm>> -> memref<256x2048xf32, #tpu.memory_space<hbm>>
    tpu.enqueue_dma source(%arg5 : memref<256x2048xf32, #tpu.memory_space<vmem_shared>>) target(%dma_start3A_309 : memref<256x2048xf32, #tpu.memory_space<hbm>>) target_semaphore(%arg7 : memref<!tpu.dma_semaphore, #tpu.memory_space<semaphore_mem>>)
    %add3A_310 = arith.constant 768 : i32
    %add3A_311 = arith.addi %add3A_297, %add3A_310 : i32
    %dma_start3A_312 = arith.constant 0 : i32
    %dma_start3A_313 = tpu.memref_slice %arg4[%add3A_311, %dma_start3A_312] : memref<32768x2048xf32, #tpu.memory_space<hbm>> -> memref<256x2048xf32, #tpu.memory_space<hbm>>
    tpu.enqueue_dma source(%arg5 : memref<256x2048xf32, #tpu.memory_space<vmem_shared>>) target(%dma_start3A_313 : memref<256x2048xf32, #tpu.memory_space<hbm>>) target_semaphore(%arg7 : memref<!tpu.dma_semaphore, #tpu.memory_space<semaphore_mem>>)
    %add3A_314 = arith.constant 1024 : i32
    %add3A_315 = arith.addi %add3A_297, %add3A_314 : i32
    %dma_start3A_316 = arith.constant 0 : i32
    %dma_start3A_317 = tpu.memref_slice %arg4[%add3A_315, %dma_start3A_316] : memref<32768x2048xf32, #tpu.memory_space<hbm>> -> memref<256x2048xf32, #tpu.memory_space<hbm>>
    tpu.enqueue_dma source(%arg5 : memref<256x2048xf32, #tpu.memory_space<vmem_shared>>) target(%dma_start3A_317 : memref<256x2048xf32, #tpu.memory_space<hbm>>) target_semaphore(%arg7 : memref<!tpu.dma_semaphore, #tpu.memory_space<semaphore_mem>>)
    %add3A_318 = arith.constant 1280 : i32
    %add3A_319 = arith.addi %add3A_297, %add3A_318 : i32
    %dma_start3A_320 = arith.constant 0 : i32
    %dma_start3A_321 = tpu.memref_slice %arg4[%add3A_319, %dma_start3A_320] : memref<32768x2048xf32, #tpu.memory_space<hbm>> -> memref<256x2048xf32, #tpu.memory_space<hbm>>
    tpu.enqueue_dma source(%arg5 : memref<256x2048xf32, #tpu.memory_space<vmem_shared>>) target(%dma_start3A_321 : memref<256x2048xf32, #tpu.memory_space<hbm>>) target_semaphore(%arg7 : memref<!tpu.dma_semaphore, #tpu.memory_space<semaphore_mem>>)
    %add3A_322 = arith.constant 1536 : i32
    %add3A_323 = arith.addi %add3A_297, %add3A_322 : i32
    %dma_start3A_324 = arith.constant 0 : i32
    %dma_start3A_325 = tpu.memref_slice %arg4[%add3A_323, %dma_start3A_324] : memref<32768x2048xf32, #tpu.memory_space<hbm>> -> memref<256x2048xf32, #tpu.memory_space<hbm>>
    tpu.enqueue_dma source(%arg5 : memref<256x2048xf32, #tpu.memory_space<vmem_shared>>) target(%dma_start3A_325 : memref<256x2048xf32, #tpu.memory_space<hbm>>) target_semaphore(%arg7 : memref<!tpu.dma_semaphore, #tpu.memory_space<semaphore_mem>>)
    %add3A_326 = arith.constant 1792 : i32
    %add3A_327 = arith.addi %add3A_297, %add3A_326 : i32
    %dma_start3A_328 = arith.constant 0 : i32
    %dma_start3A_329 = tpu.memref_slice %arg4[%add3A_327, %dma_start3A_328] : memref<32768x2048xf32, #tpu.memory_space<hbm>> -> memref<256x2048xf32, #tpu.memory_space<hbm>>
    tpu.enqueue_dma source(%arg5 : memref<256x2048xf32, #tpu.memory_space<vmem_shared>>) target(%dma_start3A_329 : memref<256x2048xf32, #tpu.memory_space<hbm>>) target_semaphore(%arg7 : memref<!tpu.dma_semaphore, #tpu.memory_space<semaphore_mem>>)
    %add3A_330 = arith.constant 2048 : i32
    %add3A_331 = arith.addi %add3A_297, %add3A_330 : i32
    %dma_start3A_332 = arith.constant 0 : i32
    %dma_start3A_333 = tpu.memref_slice %arg4[%add3A_331, %dma_start3A_332] : memref<32768x2048xf32, #tpu.memory_space<hbm>> -> memref<256x2048xf32, #tpu.memory_space<hbm>>
    tpu.enqueue_dma source(%arg5 : memref<256x2048xf32, #tpu.memory_space<vmem_shared>>) target(%dma_start3A_333 : memref<256x2048xf32, #tpu.memory_space<hbm>>) target_semaphore(%arg7 : memref<!tpu.dma_semaphore, #tpu.memory_space<semaphore_mem>>)
    %add3A_334 = arith.constant 2304 : i32
    %add3A_335 = arith.addi %add3A_297, %add3A_334 : i32
    %dma_start3A_336 = arith.constant 0 : i32
    %dma_start3A_337 = tpu.memref_slice %arg4[%add3A_335, %dma_start3A_336] : memref<32768x2048xf32, #tpu.memory_space<hbm>> -> memref<256x2048xf32, #tpu.memory_space<hbm>>
    tpu.enqueue_dma source(%arg5 : memref<256x2048xf32, #tpu.memory_space<vmem_shared>>) target(%dma_start3A_337 : memref<256x2048xf32, #tpu.memory_space<hbm>>) target_semaphore(%arg7 : memref<!tpu.dma_semaphore, #tpu.memory_space<semaphore_mem>>)
    %add3A_338 = arith.constant 2560 : i32
    %add3A_339 = arith.addi %add3A_297, %add3A_338 : i32
    %dma_start3A_340 = arith.constant 0 : i32
    %dma_start3A_341 = tpu.memref_slice %arg4[%add3A_339, %dma_start3A_340] : memref<32768x2048xf32, #tpu.memory_space<hbm>> -> memref<256x2048xf32, #tpu.memory_space<hbm>>
    tpu.enqueue_dma source(%arg5 : memref<256x2048xf32, #tpu.memory_space<vmem_shared>>) target(%dma_start3A_341 : memref<256x2048xf32, #tpu.memory_space<hbm>>) target_semaphore(%arg7 : memref<!tpu.dma_semaphore, #tpu.memory_space<semaphore_mem>>)
    %add3A_342 = arith.constant 2816 : i32
    %add3A_343 = arith.addi %add3A_297, %add3A_342 : i32
    %dma_start3A_344 = arith.constant 0 : i32
    %dma_start3A_345 = tpu.memref_slice %arg4[%add3A_343, %dma_start3A_344] : memref<32768x2048xf32, #tpu.memory_space<hbm>> -> memref<256x2048xf32, #tpu.memory_space<hbm>>
    tpu.enqueue_dma source(%arg5 : memref<256x2048xf32, #tpu.memory_space<vmem_shared>>) target(%dma_start3A_345 : memref<256x2048xf32, #tpu.memory_space<hbm>>) target_semaphore(%arg7 : memref<!tpu.dma_semaphore, #tpu.memory_space<semaphore_mem>>)
    %add3A_346 = arith.constant 3072 : i32
    %add3A_347 = arith.addi %add3A_297, %add3A_346 : i32
    %dma_start3A_348 = arith.constant 0 : i32
    %dma_start3A_349 = tpu.memref_slice %arg4[%add3A_347, %dma_start3A_348] : memref<32768x2048xf32, #tpu.memory_space<hbm>> -> memref<256x2048xf32, #tpu.memory_space<hbm>>
    tpu.enqueue_dma source(%arg5 : memref<256x2048xf32, #tpu.memory_space<vmem_shared>>) target(%dma_start3A_349 : memref<256x2048xf32, #tpu.memory_space<hbm>>) target_semaphore(%arg7 : memref<!tpu.dma_semaphore, #tpu.memory_space<semaphore_mem>>)
    %add3A_350 = arith.constant 3328 : i32
    %add3A_351 = arith.addi %add3A_297, %add3A_350 : i32
    %dma_start3A_352 = arith.constant 0 : i32
    %dma_start3A_353 = tpu.memref_slice %arg4[%add3A_351, %dma_start3A_352] : memref<32768x2048xf32, #tpu.memory_space<hbm>> -> memref<256x2048xf32, #tpu.memory_space<hbm>>
    tpu.enqueue_dma source(%arg5 : memref<256x2048xf32, #tpu.memory_space<vmem_shared>>) target(%dma_start3A_353 : memref<256x2048xf32, #tpu.memory_space<hbm>>) target_semaphore(%arg7 : memref<!tpu.dma_semaphore, #tpu.memory_space<semaphore_mem>>)
    %add3A_354 = arith.constant 3584 : i32
    %add3A_355 = arith.addi %add3A_297, %add3A_354 : i32
    %dma_start3A_356 = arith.constant 0 : i32
    %dma_start3A_357 = tpu.memref_slice %arg4[%add3A_355, %dma_start3A_356] : memref<32768x2048xf32, #tpu.memory_space<hbm>> -> memref<104x2048xf32, #tpu.memory_space<hbm>>
    %dma_start3A_358 = arith.constant 0 : i32
    %dma_start3A_359 = arith.constant 0 : i32
    %dma_start3A_360 = tpu.memref_slice %arg5[%dma_start3A_358, %dma_start3A_359] : memref<256x2048xf32, #tpu.memory_space<vmem_shared>> -> memref<104x2048xf32, #tpu.memory_space<vmem_shared>>
    tpu.enqueue_dma source(%dma_start3A_360 : memref<104x2048xf32, #tpu.memory_space<vmem_shared>>) target(%dma_start3A_357 : memref<104x2048xf32, #tpu.memory_space<hbm>>) target_semaphore(%arg7 : memref<!tpu.dma_semaphore, #tpu.memory_space<semaphore_mem>>)
    %dma_wait3A_361 = arith.constant 0 : i32
    %dma_wait3A_362 = tpu.memref_slice %arg4[%add3A_189, %dma_wait3A_361] : memref<32768x2048xf32, #tpu.memory_space<hbm>> -> memref<256x2048xf32, #tpu.memory_space<hbm>>
    tpu.wait_dma2 semaphore(%arg7 : memref<!tpu.dma_semaphore, #tpu.memory_space<semaphore_mem>>) src(%arg5 : memref<256x2048xf32, #tpu.memory_space<vmem_shared>>) dst(%dma_wait3A_362 : memref<256x2048xf32, #tpu.memory_space<hbm>>)
    %dma_wait3A_363 = arith.constant 0 : i32
    %dma_wait3A_364 = tpu.memref_slice %arg4[%add3A_193, %dma_wait3A_363] : memref<32768x2048xf32, #tpu.memory_space<hbm>> -> memref<256x2048xf32, #tpu.memory_space<hbm>>
    tpu.wait_dma2 semaphore(%arg7 : memref<!tpu.dma_semaphore, #tpu.memory_space<semaphore_mem>>) src(%arg5 : memref<256x2048xf32, #tpu.memory_space<vmem_shared>>) dst(%dma_wait3A_364 : memref<256x2048xf32, #tpu.memory_space<hbm>>)
    %dma_wait3A_365 = arith.constant 0 : i32
    %dma_wait3A_366 = tpu.memref_slice %arg4[%add3A_197, %dma_wait3A_365] : memref<32768x2048xf32, #tpu.memory_space<hbm>> -> memref<256x2048xf32, #tpu.memory_space<hbm>>
    tpu.wait_dma2 semaphore(%arg7 : memref<!tpu.dma_semaphore, #tpu.memory_space<semaphore_mem>>) src(%arg5 : memref<256x2048xf32, #tpu.memory_space<vmem_shared>>) dst(%dma_wait3A_366 : memref<256x2048xf32, #tpu.memory_space<hbm>>)
    %dma_wait3A_367 = arith.constant 0 : i32
    %dma_wait3A_368 = tpu.memref_slice %arg4[%add3A_201, %dma_wait3A_367] : memref<32768x2048xf32, #tpu.memory_space<hbm>> -> memref<256x2048xf32, #tpu.memory_space<hbm>>
    tpu.wait_dma2 semaphore(%arg7 : memref<!tpu.dma_semaphore, #tpu.memory_space<semaphore_mem>>) src(%arg5 : memref<256x2048xf32, #tpu.memory_space<vmem_shared>>) dst(%dma_wait3A_368 : memref<256x2048xf32, #tpu.memory_space<hbm>>)
    %dma_wait3A_369 = arith.constant 0 : i32
    %dma_wait3A_370 = tpu.memref_slice %arg4[%add3A_205, %dma_wait3A_369] : memref<32768x2048xf32, #tpu.memory_space<hbm>> -> memref<256x2048xf32, #tpu.memory_space<hbm>>
    tpu.wait_dma2 semaphore(%arg7 : memref<!tpu.dma_semaphore, #tpu.memory_space<semaphore_mem>>) src(%arg5 : memref<256x2048xf32, #tpu.memory_space<vmem_shared>>) dst(%dma_wait3A_370 : memref<256x2048xf32, #tpu.memory_space<hbm>>)
    %dma_wait3A_371 = arith.constant 0 : i32
    %dma_wait3A_372 = tpu.memref_slice %arg4[%add3A_209, %dma_wait3A_371] : memref<32768x2048xf32, #tpu.memory_space<hbm>> -> memref<256x2048xf32, #tpu.memory_space<hbm>>
    tpu.wait_dma2 semaphore(%arg7 : memref<!tpu.dma_semaphore, #tpu.memory_space<semaphore_mem>>) src(%arg5 : memref<256x2048xf32, #tpu.memory_space<vmem_shared>>) dst(%dma_wait3A_372 : memref<256x2048xf32, #tpu.memory_space<hbm>>)
    %dma_wait3A_373 = arith.constant 0 : i32
    %dma_wait3A_374 = tpu.memref_slice %arg4[%add3A_213, %dma_wait3A_373] : memref<32768x2048xf32, #tpu.memory_space<hbm>> -> memref<256x2048xf32, #tpu.memory_space<hbm>>
    tpu.wait_dma2 semaphore(%arg7 : memref<!tpu.dma_semaphore, #tpu.memory_space<semaphore_mem>>) src(%arg5 : memref<256x2048xf32, #tpu.memory_space<vmem_shared>>) dst(%dma_wait3A_374 : memref<256x2048xf32, #tpu.memory_space<hbm>>)
    %dma_wait3A_375 = arith.constant 0 : i32
    %dma_wait3A_376 = tpu.memref_slice %arg4[%add3A_217, %dma_wait3A_375] : memref<32768x2048xf32, #tpu.memory_space<hbm>> -> memref<256x2048xf32, #tpu.memory_space<hbm>>
    tpu.wait_dma2 semaphore(%arg7 : memref<!tpu.dma_semaphore, #tpu.memory_space<semaphore_mem>>) src(%arg5 : memref<256x2048xf32, #tpu.memory_space<vmem_shared>>) dst(%dma_wait3A_376 : memref<256x2048xf32, #tpu.memory_space<hbm>>)
    %dma_wait3A_377 = arith.constant 0 : i32
    %dma_wait3A_378 = tpu.memref_slice %arg4[%add3A_221, %dma_wait3A_377] : memref<32768x2048xf32, #tpu.memory_space<hbm>> -> memref<256x2048xf32, #tpu.memory_space<hbm>>
    tpu.wait_dma2 semaphore(%arg7 : memref<!tpu.dma_semaphore, #tpu.memory_space<semaphore_mem>>) src(%arg5 : memref<256x2048xf32, #tpu.memory_space<vmem_shared>>) dst(%dma_wait3A_378 : memref<256x2048xf32, #tpu.memory_space<hbm>>)
    %dma_wait3A_379 = arith.constant 0 : i32
    %dma_wait3A_380 = tpu.memref_slice %arg4[%add3A_225, %dma_wait3A_379] : memref<32768x2048xf32, #tpu.memory_space<hbm>> -> memref<256x2048xf32, #tpu.memory_space<hbm>>
    tpu.wait_dma2 semaphore(%arg7 : memref<!tpu.dma_semaphore, #tpu.memory_space<semaphore_mem>>) src(%arg5 : memref<256x2048xf32, #tpu.memory_space<vmem_shared>>) dst(%dma_wait3A_380 : memref<256x2048xf32, #tpu.memory_space<hbm>>)
    %dma_wait3A_381 = arith.constant 0 : i32
    %dma_wait3A_382 = tpu.memref_slice %arg4[%add3A_229, %dma_wait3A_381] : memref<32768x2048xf32, #tpu.memory_space<hbm>> -> memref<256x2048xf32, #tpu.memory_space<hbm>>
    tpu.wait_dma2 semaphore(%arg7 : memref<!tpu.dma_semaphore, #tpu.memory_space<semaphore_mem>>) src(%arg5 : memref<256x2048xf32, #tpu.memory_space<vmem_shared>>) dst(%dma_wait3A_382 : memref<256x2048xf32, #tpu.memory_space<hbm>>)
    %dma_wait3A_383 = arith.constant 0 : i32
    %dma_wait3A_384 = tpu.memref_slice %arg4[%add3A_233, %dma_wait3A_383] : memref<32768x2048xf32, #tpu.memory_space<hbm>> -> memref<256x2048xf32, #tpu.memory_space<hbm>>
    tpu.wait_dma2 semaphore(%arg7 : memref<!tpu.dma_semaphore, #tpu.memory_space<semaphore_mem>>) src(%arg5 : memref<256x2048xf32, #tpu.memory_space<vmem_shared>>) dst(%dma_wait3A_384 : memref<256x2048xf32, #tpu.memory_space<hbm>>)
    %dma_wait3A_385 = arith.constant 0 : i32
    %dma_wait3A_386 = tpu.memref_slice %arg4[%add3A_237, %dma_wait3A_385] : memref<32768x2048xf32, #tpu.memory_space<hbm>> -> memref<256x2048xf32, #tpu.memory_space<hbm>>
    tpu.wait_dma2 semaphore(%arg7 : memref<!tpu.dma_semaphore, #tpu.memory_space<semaphore_mem>>) src(%arg5 : memref<256x2048xf32, #tpu.memory_space<vmem_shared>>) dst(%dma_wait3A_386 : memref<256x2048xf32, #tpu.memory_space<hbm>>)
    %dma_wait3A_387 = arith.constant 0 : i32
    %dma_wait3A_388 = tpu.memref_slice %arg4[%add3A_241, %dma_wait3A_387] : memref<32768x2048xf32, #tpu.memory_space<hbm>> -> memref<256x2048xf32, #tpu.memory_space<hbm>>
    tpu.wait_dma2 semaphore(%arg7 : memref<!tpu.dma_semaphore, #tpu.memory_space<semaphore_mem>>) src(%arg5 : memref<256x2048xf32, #tpu.memory_space<vmem_shared>>) dst(%dma_wait3A_388 : memref<256x2048xf32, #tpu.memory_space<hbm>>)
    %dma_wait3A_389 = arith.constant 0 : i32
    %dma_wait3A_390 = tpu.memref_slice %arg4[%add3A_245, %dma_wait3A_389] : memref<32768x2048xf32, #tpu.memory_space<hbm>> -> memref<104x2048xf32, #tpu.memory_space<hbm>>
    %dma_wait3A_391 = arith.constant 0 : i32
    %dma_wait3A_392 = arith.constant 0 : i32
    %dma_wait3A_393 = tpu.memref_slice %arg5[%dma_wait3A_391, %dma_wait3A_392] : memref<256x2048xf32, #tpu.memory_space<vmem_shared>> -> memref<104x2048xf32, #tpu.memory_space<vmem_shared>>
    tpu.wait_dma2 semaphore(%arg7 : memref<!tpu.dma_semaphore, #tpu.memory_space<semaphore_mem>>) src(%dma_wait3A_393 : memref<104x2048xf32, #tpu.memory_space<vmem_shared>>) dst(%dma_wait3A_390 : memref<104x2048xf32, #tpu.memory_space<hbm>>)
    %add3A_394 = arith.constant 31944 : i32
    %add3A_395 = arith.addi %add3A_394, %min3A_5 : i32
    %eq3A_396 = arith.constant 0 : i32
    %eq3A_397 = arith.cmpi eq, %arg0, %eq3A_396 : i32
    %convert_element_type3A_398 = arith.extui %eq3A_397 : i1 to i32
    %cond3A_399 = arith.constant 0 : i32
    %cond3A_400 = arith.cmpi ne, %convert_element_type3A_398, %cond3A_399 : i32
    scf.if %cond3A_400 {
      "tpu.region"() ({
        %run_scoped3A = tpu.sem_alloc : memref<!tpu.dma_semaphore, #tpu.memory_space<semaphore_mem>>
        %dma_start3A_439 = arith.constant 0 : i32
        %dma_start3A_440 = arith.constant 0 : i32
        %dma_start3A_441 = tpu.memref_slice %arg6[%dma_start3A_439, %dma_start3A_440] : memref<416x2048xf32, #tpu.memory_space<vmem_shared>> -> memref<8x2048xf32, #tpu.memory_space<vmem_shared>>
        %dma_start3A_442 = arith.constant 24 : i32
        %dma_start3A_443 = arith.constant 0 : i32
        %dma_start3A_444 = tpu.memref_slice %arg3[%dma_start3A_442, %dma_start3A_443] : memref<32x2048xf32, #tpu.memory_space<hbm>> -> memref<8x2048xf32, #tpu.memory_space<hbm>>
        tpu.enqueue_dma source(%dma_start3A_444 : memref<8x2048xf32, #tpu.memory_space<hbm>>) target(%dma_start3A_441 : memref<8x2048xf32, #tpu.memory_space<vmem_shared>>) target_semaphore(%run_scoped3A : memref<!tpu.dma_semaphore, #tpu.memory_space<semaphore_mem>>)
        %dma_wait3A_445 = arith.constant 0 : i32
        %dma_wait3A_446 = arith.constant 0 : i32
        %dma_wait3A_447 = tpu.memref_slice %arg6[%dma_wait3A_445, %dma_wait3A_446] : memref<416x2048xf32, #tpu.memory_space<vmem_shared>> -> memref<8x2048xf32, #tpu.memory_space<vmem_shared>>
        %dma_wait3A_448 = arith.constant 24 : i32
        %dma_wait3A_449 = arith.constant 0 : i32
        %dma_wait3A_450 = tpu.memref_slice %arg3[%dma_wait3A_448, %dma_wait3A_449] : memref<32x2048xf32, #tpu.memory_space<hbm>> -> memref<8x2048xf32, #tpu.memory_space<hbm>>
        tpu.wait_dma2 semaphore(%run_scoped3A : memref<!tpu.dma_semaphore, #tpu.memory_space<semaphore_mem>>) src(%dma_wait3A_450 : memref<8x2048xf32, #tpu.memory_space<hbm>>) dst(%dma_wait3A_447 : memref<8x2048xf32, #tpu.memory_space<vmem_shared>>)
        tpu.yield
      }) : () -> ()
      "tpu.region"() ({
        %run_scoped3A = tpu.sem_alloc : memref<!tpu.dma_semaphore, #tpu.memory_space<semaphore_mem>>
        %dma_start3A_439 = arith.constant 8 : i32
        %dma_start3A_440 = arith.constant 0 : i32
        %dma_start3A_441 = tpu.memref_slice %arg6[%dma_start3A_439, %dma_start3A_440] : memref<416x2048xf32, #tpu.memory_space<vmem_shared>> -> memref<408x2048xf32, #tpu.memory_space<vmem_shared>>
        %dma_start3A_442 = arith.constant 31952 : i32
        %dma_start3A_443 = arith.constant 0 : i32
        %dma_start3A_444 = tpu.memref_slice %arg1[%dma_start3A_442, %dma_start3A_443] : memref<32768x2048xf32, #tpu.memory_space<hbm>> -> memref<408x2048xf32, #tpu.memory_space<hbm>>
        tpu.enqueue_dma source(%dma_start3A_444 : memref<408x2048xf32, #tpu.memory_space<hbm>>) target(%dma_start3A_441 : memref<408x2048xf32, #tpu.memory_space<vmem_shared>>) target_semaphore(%run_scoped3A : memref<!tpu.dma_semaphore, #tpu.memory_space<semaphore_mem>>)
        %dma_wait3A_445 = arith.constant 8 : i32
        %dma_wait3A_446 = arith.constant 0 : i32
        %dma_wait3A_447 = tpu.memref_slice %arg6[%dma_wait3A_445, %dma_wait3A_446] : memref<416x2048xf32, #tpu.memory_space<vmem_shared>> -> memref<408x2048xf32, #tpu.memory_space<vmem_shared>>
        %dma_wait3A_448 = arith.constant 31952 : i32
        %dma_wait3A_449 = arith.constant 0 : i32
        %dma_wait3A_450 = tpu.memref_slice %arg1[%dma_wait3A_448, %dma_wait3A_449] : memref<32768x2048xf32, #tpu.memory_space<hbm>> -> memref<408x2048xf32, #tpu.memory_space<hbm>>
        tpu.wait_dma2 semaphore(%run_scoped3A : memref<!tpu.dma_semaphore, #tpu.memory_space<semaphore_mem>>) src(%dma_wait3A_450 : memref<408x2048xf32, #tpu.memory_space<hbm>>) dst(%dma_wait3A_447 : memref<408x2048xf32, #tpu.memory_space<vmem_shared>>)
        tpu.yield
      }) : () -> ()
    } else {
    }
    %ne3A_401 = arith.constant 0 : i32
    %ne3A_402 = arith.cmpi ne, %arg0, %ne3A_401 : i32
    %convert_element_type3A_403 = arith.extui %ne3A_402 : i1 to i32
    %cond3A_404 = arith.constant 0 : i32
    %cond3A_405 = arith.cmpi ne, %convert_element_type3A_403, %cond3A_404 : i32
    scf.if %cond3A_405 {
      "tpu.region"() ({
        %run_scoped3A = tpu.sem_alloc : memref<!tpu.dma_semaphore, #tpu.memory_space<semaphore_mem>>
        %dma_start3A_439 = arith.constant 0 : i32
        %dma_start3A_440 = tpu.memref_slice %arg1[%add3A_395, %dma_start3A_439] : memref<32768x2048xf32, #tpu.memory_space<hbm>> -> memref<416x2048xf32, #tpu.memory_space<hbm>>
        tpu.enqueue_dma source(%dma_start3A_440 : memref<416x2048xf32, #tpu.memory_space<hbm>>) target(%arg6 : memref<416x2048xf32, #tpu.memory_space<vmem_shared>>) target_semaphore(%run_scoped3A : memref<!tpu.dma_semaphore, #tpu.memory_space<semaphore_mem>>)
        %dma_wait3A_441 = arith.constant 0 : i32
        %dma_wait3A_442 = tpu.memref_slice %arg1[%add3A_395, %dma_wait3A_441] : memref<32768x2048xf32, #tpu.memory_space<hbm>> -> memref<416x2048xf32, #tpu.memory_space<hbm>>
        tpu.wait_dma2 semaphore(%run_scoped3A : memref<!tpu.dma_semaphore, #tpu.memory_space<semaphore_mem>>) src(%dma_wait3A_442 : memref<416x2048xf32, #tpu.memory_space<hbm>>) dst(%arg6 : memref<416x2048xf32, #tpu.memory_space<vmem_shared>>)
        tpu.yield
      }) : () -> ()
    } else {
    }
    "tpu.region"() ({
      %run_scoped3A = tpu.sem_alloc : memref<!tpu.dma_semaphore, #tpu.memory_space<semaphore_mem>>
      %dma_start3A_439 = arith.constant 0 : i32
      %dma_start3A_440 = tpu.memref_slice %arg4[%add3A_395, %dma_start3A_439] : memref<32768x2048xf32, #tpu.memory_space<hbm>> -> memref<416x2048xf32, #tpu.memory_space<hbm>>
      tpu.enqueue_dma source(%arg6 : memref<416x2048xf32, #tpu.memory_space<vmem_shared>>) target(%dma_start3A_440 : memref<416x2048xf32, #tpu.memory_space<hbm>>) target_semaphore(%run_scoped3A : memref<!tpu.dma_semaphore, #tpu.memory_space<semaphore_mem>>)
      %dma_wait3A_441 = arith.constant 0 : i32
      %dma_wait3A_442 = tpu.memref_slice %arg4[%add3A_395, %dma_wait3A_441] : memref<32768x2048xf32, #tpu.memory_space<hbm>> -> memref<416x2048xf32, #tpu.memory_space<hbm>>
      tpu.wait_dma2 semaphore(%run_scoped3A : memref<!tpu.dma_semaphore, #tpu.memory_space<semaphore_mem>>) src(%arg6 : memref<416x2048xf32, #tpu.memory_space<vmem_shared>>) dst(%dma_wait3A_442 : memref<416x2048xf32, #tpu.memory_space<hbm>>)
      tpu.yield
    }) : () -> ()
    %dma_wait3A_406 = arith.constant 0 : i32
    %dma_wait3A_407 = tpu.memref_slice %arg4[%add3A_299, %dma_wait3A_406] : memref<32768x2048xf32, #tpu.memory_space<hbm>> -> memref<256x2048xf32, #tpu.memory_space<hbm>>
    tpu.wait_dma2 semaphore(%arg7 : memref<!tpu.dma_semaphore, #tpu.memory_space<semaphore_mem>>) src(%arg5 : memref<256x2048xf32, #tpu.memory_space<vmem_shared>>) dst(%dma_wait3A_407 : memref<256x2048xf32, #tpu.memory_space<hbm>>)
    %dma_wait3A_408 = arith.constant 0 : i32
    %dma_wait3A_409 = tpu.memref_slice %arg4[%add3A_303, %dma_wait3A_408] : memref<32768x2048xf32, #tpu.memory_space<hbm>> -> memref<256x2048xf32, #tpu.memory_space<hbm>>
    tpu.wait_dma2 semaphore(%arg7 : memref<!tpu.dma_semaphore, #tpu.memory_space<semaphore_mem>>) src(%arg5 : memref<256x2048xf32, #tpu.memory_space<vmem_shared>>) dst(%dma_wait3A_409 : memref<256x2048xf32, #tpu.memory_space<hbm>>)
    %dma_wait3A_410 = arith.constant 0 : i32
    %dma_wait3A_411 = tpu.memref_slice %arg4[%add3A_307, %dma_wait3A_410] : memref<32768x2048xf32, #tpu.memory_space<hbm>> -> memref<256x2048xf32, #tpu.memory_space<hbm>>
    tpu.wait_dma2 semaphore(%arg7 : memref<!tpu.dma_semaphore, #tpu.memory_space<semaphore_mem>>) src(%arg5 : memref<256x2048xf32, #tpu.memory_space<vmem_shared>>) dst(%dma_wait3A_411 : memref<256x2048xf32, #tpu.memory_space<hbm>>)
    %dma_wait3A_412 = arith.constant 0 : i32
    %dma_wait3A_413 = tpu.memref_slice %arg4[%add3A_311, %dma_wait3A_412] : memref<32768x2048xf32, #tpu.memory_space<hbm>> -> memref<256x2048xf32, #tpu.memory_space<hbm>>
    tpu.wait_dma2 semaphore(%arg7 : memref<!tpu.dma_semaphore, #tpu.memory_space<semaphore_mem>>) src(%arg5 : memref<256x2048xf32, #tpu.memory_space<vmem_shared>>) dst(%dma_wait3A_413 : memref<256x2048xf32, #tpu.memory_space<hbm>>)
    %dma_wait3A_414 = arith.constant 0 : i32
    %dma_wait3A_415 = tpu.memref_slice %arg4[%add3A_315, %dma_wait3A_414] : memref<32768x2048xf32, #tpu.memory_space<hbm>> -> memref<256x2048xf32, #tpu.memory_space<hbm>>
    tpu.wait_dma2 semaphore(%arg7 : memref<!tpu.dma_semaphore, #tpu.memory_space<semaphore_mem>>) src(%arg5 : memref<256x2048xf32, #tpu.memory_space<vmem_shared>>) dst(%dma_wait3A_415 : memref<256x2048xf32, #tpu.memory_space<hbm>>)
    %dma_wait3A_416 = arith.constant 0 : i32
    %dma_wait3A_417 = tpu.memref_slice %arg4[%add3A_319, %dma_wait3A_416] : memref<32768x2048xf32, #tpu.memory_space<hbm>> -> memref<256x2048xf32, #tpu.memory_space<hbm>>
    tpu.wait_dma2 semaphore(%arg7 : memref<!tpu.dma_semaphore, #tpu.memory_space<semaphore_mem>>) src(%arg5 : memref<256x2048xf32, #tpu.memory_space<vmem_shared>>) dst(%dma_wait3A_417 : memref<256x2048xf32, #tpu.memory_space<hbm>>)
    %dma_wait3A_418 = arith.constant 0 : i32
    %dma_wait3A_419 = tpu.memref_slice %arg4[%add3A_323, %dma_wait3A_418] : memref<32768x2048xf32, #tpu.memory_space<hbm>> -> memref<256x2048xf32, #tpu.memory_space<hbm>>
    tpu.wait_dma2 semaphore(%arg7 : memref<!tpu.dma_semaphore, #tpu.memory_space<semaphore_mem>>) src(%arg5 : memref<256x2048xf32, #tpu.memory_space<vmem_shared>>) dst(%dma_wait3A_419 : memref<256x2048xf32, #tpu.memory_space<hbm>>)
    %dma_wait3A_420 = arith.constant 0 : i32
    %dma_wait3A_421 = tpu.memref_slice %arg4[%add3A_327, %dma_wait3A_420] : memref<32768x2048xf32, #tpu.memory_space<hbm>> -> memref<256x2048xf32, #tpu.memory_space<hbm>>
    tpu.wait_dma2 semaphore(%arg7 : memref<!tpu.dma_semaphore, #tpu.memory_space<semaphore_mem>>) src(%arg5 : memref<256x2048xf32, #tpu.memory_space<vmem_shared>>) dst(%dma_wait3A_421 : memref<256x2048xf32, #tpu.memory_space<hbm>>)
    %dma_wait3A_422 = arith.constant 0 : i32
    %dma_wait3A_423 = tpu.memref_slice %arg4[%add3A_331, %dma_wait3A_422] : memref<32768x2048xf32, #tpu.memory_space<hbm>> -> memref<256x2048xf32, #tpu.memory_space<hbm>>
    tpu.wait_dma2 semaphore(%arg7 : memref<!tpu.dma_semaphore, #tpu.memory_space<semaphore_mem>>) src(%arg5 : memref<256x2048xf32, #tpu.memory_space<vmem_shared>>) dst(%dma_wait3A_423 : memref<256x2048xf32, #tpu.memory_space<hbm>>)
    %dma_wait3A_424 = arith.constant 0 : i32
    %dma_wait3A_425 = tpu.memref_slice %arg4[%add3A_335, %dma_wait3A_424] : memref<32768x2048xf32, #tpu.memory_space<hbm>> -> memref<256x2048xf32, #tpu.memory_space<hbm>>
    tpu.wait_dma2 semaphore(%arg7 : memref<!tpu.dma_semaphore, #tpu.memory_space<semaphore_mem>>) src(%arg5 : memref<256x2048xf32, #tpu.memory_space<vmem_shared>>) dst(%dma_wait3A_425 : memref<256x2048xf32, #tpu.memory_space<hbm>>)
    %dma_wait3A_426 = arith.constant 0 : i32
    %dma_wait3A_427 = tpu.memref_slice %arg4[%add3A_339, %dma_wait3A_426] : memref<32768x2048xf32, #tpu.memory_space<hbm>> -> memref<256x2048xf32, #tpu.memory_space<hbm>>
    tpu.wait_dma2 semaphore(%arg7 : memref<!tpu.dma_semaphore, #tpu.memory_space<semaphore_mem>>) src(%arg5 : memref<256x2048xf32, #tpu.memory_space<vmem_shared>>) dst(%dma_wait3A_427 : memref<256x2048xf32, #tpu.memory_space<hbm>>)
    %dma_wait3A_428 = arith.constant 0 : i32
    %dma_wait3A_429 = tpu.memref_slice %arg4[%add3A_343, %dma_wait3A_428] : memref<32768x2048xf32, #tpu.memory_space<hbm>> -> memref<256x2048xf32, #tpu.memory_space<hbm>>
    tpu.wait_dma2 semaphore(%arg7 : memref<!tpu.dma_semaphore, #tpu.memory_space<semaphore_mem>>) src(%arg5 : memref<256x2048xf32, #tpu.memory_space<vmem_shared>>) dst(%dma_wait3A_429 : memref<256x2048xf32, #tpu.memory_space<hbm>>)
    %dma_wait3A_430 = arith.constant 0 : i32
    %dma_wait3A_431 = tpu.memref_slice %arg4[%add3A_347, %dma_wait3A_430] : memref<32768x2048xf32, #tpu.memory_space<hbm>> -> memref<256x2048xf32, #tpu.memory_space<hbm>>
    tpu.wait_dma2 semaphore(%arg7 : memref<!tpu.dma_semaphore, #tpu.memory_space<semaphore_mem>>) src(%arg5 : memref<256x2048xf32, #tpu.memory_space<vmem_shared>>) dst(%dma_wait3A_431 : memref<256x2048xf32, #tpu.memory_space<hbm>>)
    %dma_wait3A_432 = arith.constant 0 : i32
    %dma_wait3A_433 = tpu.memref_slice %arg4[%add3A_351, %dma_wait3A_432] : memref<32768x2048xf32, #tpu.memory_space<hbm>> -> memref<256x2048xf32, #tpu.memory_space<hbm>>
    tpu.wait_dma2 semaphore(%arg7 : memref<!tpu.dma_semaphore, #tpu.memory_space<semaphore_mem>>) src(%arg5 : memref<256x2048xf32, #tpu.memory_space<vmem_shared>>) dst(%dma_wait3A_433 : memref<256x2048xf32, #tpu.memory_space<hbm>>)
    %dma_wait3A_434 = arith.constant 0 : i32
    %dma_wait3A_435 = tpu.memref_slice %arg4[%add3A_355, %dma_wait3A_434] : memref<32768x2048xf32, #tpu.memory_space<hbm>> -> memref<104x2048xf32, #tpu.memory_space<hbm>>
    %dma_wait3A_436 = arith.constant 0 : i32
    %dma_wait3A_437 = arith.constant 0 : i32
    %dma_wait3A_438 = tpu.memref_slice %arg5[%dma_wait3A_436, %dma_wait3A_437] : memref<256x2048xf32, #tpu.memory_space<vmem_shared>> -> memref<104x2048xf32, #tpu.memory_space<vmem_shared>>
    tpu.wait_dma2 semaphore(%arg7 : memref<!tpu.dma_semaphore, #tpu.memory_space<semaphore_mem>>) src(%dma_wait3A_438 : memref<104x2048xf32, #tpu.memory_space<vmem_shared>>) dst(%dma_wait3A_435 : memref<104x2048xf32, #tpu.memory_space<hbm>>)
    return
  }
}

module attributes {stable_mosaic.version = 14 : i64} {
  func.func @_backup_block_kernel(%arg0: i32, %arg1: i32, %arg2: memref<1x1024x2048xf32, #tpu.memory_space<vmem>>, %arg3: memref<1x1024x2048xi16, #tpu.memory_space<vmem>>) attributes {dimension_semantics = [#tpu.dimension_semantics<arbitrary>, #tpu.dimension_semantics<arbitrary>], iteration_bounds = array<i64: 4, 8>, scalar_prefetch = 0 : i64, scratch_operands = 0 : i64, tpu.core_type = #tpu.core_type<tc>, window_params = [{transform_indices = @transform_0, window_bounds = array<i64: 1, 1024, 2048>}, {transform_indices = @transform_1, window_bounds = array<i64: 1, 1024, 2048>}]} {
    %get3A = arith.constant 0 : index
    %get3A_0 = arith.constant 0 : index
    %get3A_1 = arith.constant 0 : index
    %get3A_2 = vector.load %arg2[%get3A, %get3A_0, %get3A_1] : memref<1x1024x2048xf32, #tpu.memory_space<vmem>>, vector<1x1024x2048xf32>
    %bitcast_convert_type3A = tpu.bitcast %get3A_2 : vector<1x1024x2048xf32> -> vector<1x1024x2048xi32>
    %abs3A = math.absf %get3A_2 : vector<1x1024x2048xf32>
    %mul3A = arith.constant 5.19229686E+33 : f32
    %mul3A_3 = vector.broadcast %mul3A : f32 to vector<1x1024x2048xf32>
    %mul3A_4 = arith.mulf %abs3A, %mul3A_3 : vector<1x1024x2048xf32>
    %mul3A_5 = arith.constant 7.70371977E-34 : f32
    %mul3A_6 = vector.broadcast %mul3A_5 : f32 to vector<1x1024x2048xf32>
    %mul3A_7 = arith.mulf %mul3A_4, %mul3A_6 : vector<1x1024x2048xf32>
    %add3A = arith.addi %bitcast_convert_type3A, %bitcast_convert_type3A : vector<1x1024x2048xi32>
    %shift_right_logical3A = arith.constant 24 : i32
    %shift_right_logical3A_8 = vector.broadcast %shift_right_logical3A : i32 to vector<1x1024x2048xi32>
    %shift_right_logical3A_9 = arith.shrui %add3A, %shift_right_logical3A_8 : vector<1x1024x2048xi32>
    %max3A = arith.constant 113 : i32
    %max3A_10 = vector.broadcast %max3A : i32 to vector<1x1024x2048xi32>
    %max3A_11 = arith.maxsi %shift_right_logical3A_9, %max3A_10 : vector<1x1024x2048xi32>
    %shift_left3A = arith.constant 23 : i32
    %shift_left3A_12 = vector.broadcast %shift_left3A : i32 to vector<1x1024x2048xi32>
    %shift_left3A_13 = arith.shli %max3A_11, %shift_left3A_12 : vector<1x1024x2048xi32>
    %add3A_14 = arith.constant 125829120 : i32
    %add3A_15 = vector.broadcast %add3A_14 : i32 to vector<1x1024x2048xi32>
    %add3A_16 = arith.addi %shift_left3A_13, %add3A_15 : vector<1x1024x2048xi32>
    %bitcast_convert_type3A_17 = tpu.bitcast %add3A_16 : vector<1x1024x2048xi32> -> vector<1x1024x2048xf32>
    %add3A_18 = arith.addf %bitcast_convert_type3A_17, %mul3A_7 : vector<1x1024x2048xf32>
    %bitcast_convert_type3A_19 = tpu.bitcast %add3A_18 : vector<1x1024x2048xf32> -> vector<1x1024x2048xi32>
    %shift_right_logical3A_20 = arith.constant 13 : i32
    %shift_right_logical3A_21 = vector.broadcast %shift_right_logical3A_20 : i32 to vector<1x1024x2048xi32>
    %shift_right_logical3A_22 = arith.shrui %bitcast_convert_type3A_19, %shift_right_logical3A_21 : vector<1x1024x2048xi32>
    %and3A = arith.constant 31744 : i32
    %and3A_23 = vector.broadcast %and3A : i32 to vector<1x1024x2048xi32>
    %and3A_24 = arith.andi %shift_right_logical3A_22, %and3A_23 : vector<1x1024x2048xi32>
    %and3A_25 = arith.constant 4095 : i32
    %and3A_26 = vector.broadcast %and3A_25 : i32 to vector<1x1024x2048xi32>
    %and3A_27 = arith.andi %bitcast_convert_type3A_19, %and3A_26 : vector<1x1024x2048xi32>
    %add3A_28 = arith.addi %and3A_24, %and3A_27 : vector<1x1024x2048xi32>
    %shift_right_logical3A_29 = arith.constant 16 : i32
    %shift_right_logical3A_30 = vector.broadcast %shift_right_logical3A_29 : i32 to vector<1x1024x2048xi32>
    %shift_right_logical3A_31 = arith.shrui %bitcast_convert_type3A, %shift_right_logical3A_30 : vector<1x1024x2048xi32>
    %and3A_32 = arith.constant 32768 : i32
    %and3A_33 = vector.broadcast %and3A_32 : i32 to vector<1x1024x2048xi32>
    %and3A_34 = arith.andi %shift_right_logical3A_31, %and3A_33 : vector<1x1024x2048xi32>
    %or3A = arith.ori %add3A_28, %and3A_34 : vector<1x1024x2048xi32>
    %convert_element_type3A = arith.trunci %or3A : vector<1x1024x2048xi32> to vector<1x1024x2048xi16>
    %swap3A = arith.constant 0 : index
    %swap3A_35 = arith.constant 0 : index
    %swap3A_36 = arith.constant 0 : index
    %swap3A_37 = vector.load %arg3[%swap3A, %swap3A_35, %swap3A_36] : memref<1x1024x2048xi16, #tpu.memory_space<vmem>>, vector<1x1024x2048xi16>
    tpu.vector_store %arg3[%swap3A, %swap3A_35, %swap3A_36], %convert_element_type3A {strides = array<i32>} : memref<1x1024x2048xi16, #tpu.memory_space<vmem>>, vector<1x1024x2048xi16>,
    return
  }
  func.func @transform_0(%arg0: i32, %arg1: i32) -> (i32, i32, i32) {
    %c0_i32 = arith.constant 0 : i32
    %c0_i32_0 = arith.constant 0 : i32
    return %arg0, %arg1, %c0_i32 : i32, i32, i32
  }
  func.func @transform_1(%arg0: i32, %arg1: i32) -> (i32, i32, i32) {
    %c0_i32 = arith.constant 0 : i32
    %c0_i32_0 = arith.constant 0 : i32
    return %arg0, %arg1, %c0_i32 : i32, i32, i32
  }
}

</mosaic_0001>

<sc_bundles>
// kernel: kernel.4.cloned.1.call-start
scs
__scs_entry_jumppad:
0x0: {  	(pc) =	sbr.rel $0x88, $3  }
0x1: {  	(tag) =	ssettag $0x0;
	lr =	simm.s32 $0x1  }
0x2: {  	[smem:$0x3FA0] =	sst lr;
	_ =	strace $0xD0000000  }
0x3: {  	_ = 	snop  }
0x4: {  	_ = 	snop  }
0x5: {  	_ = 	snop  }
0x6: {  	_ = 	snop  }
0x7: {  	_ = 	snop  }
__scs_overlays_trampoline_lowered:
0x8: {  	[smem:$0x3FAF] =	sst s0  }
0x9: {  	[smem:$0x3FB0] =	sst s1  }
0xa: {  	[smem:$0x3FB1] =	sst s2  }
0xb: {  	[smem:$0x3FB2] =	sst s3  }
0xc: {  	[smem:$0x3FB3] =	sst s4  }
0xd: {  	[smem:$0x3FB4] =	sst s5  }
0xe: {  	[smem:$0x3FB5] =	sst s6  }
0xf: {  	[smem:$0x3FB6] =	sst s7  }
0x10: {  	[smem:$0x3FB7] =	sst s8  }
0x11: {  	[smem:$0x3FB8] =	sst s9;
	s0 =	simm.s32 @!p0 $0x0  }
0x12: {  	s1 =	sld [smem:$0x3F9E];
	s0 =	simm.s32 @p0 $0x1  }
0x13: {  	[smem:$0x3FB9] =	sst s0;
	s0 =	simm.s32 @!p1 $0x0  }
0x14: {  	s2 =	sld [smem:$0x3F9D];
	s0 =	simm.s32 @p1 $0x1  }
0x15: {  	[smem:$0x3FBA] =	sst s0;
	s0 =	simm.s32 @!p2 $0x0  }
0x16: {  	s3 =	sld [smem:$0x3FDB];
	s0 =	simm.s32 @p2 $0x1  }
0x17: {  	s4 =	simm.s32 $0x1BF5;
	[smem:$0x3FBC] =	sst s0  }
0x18: {  	s0 =	sld [smem:$0x3F9F];
	_ =	swait.ge [sflag:s4], $0x0  }
0x19: {  	s7 =	sld [smem:$0x3FA0]  }
0x1a: {  	s8 =	sadd.s32 $0xFFFFE003, lr  }
0x1b: {  	s9 =	sadd.s32 $0xFFFFFEF7, lr;
	s5 =	simm.s32 $0xFFFFFFFF;
	p2 =	slt.u32 s8, $0xFFFFF086  }
0x1c: {  	p1 =	slt.u32 s9, $0xF7A;
	s5 =	simm.s32 @!p2 $0x0  }
0x1d: {  	s5 =	simm.s32 @p1 $0x1;
	p0 =	seq.s32 s7, s2  }
0x1e: {  	s7 =	smul.u32 @!p0 $0xF7A, s2;
	p2 =	seq.s32 @!p0 s5, $0x0  }
0x1f: {  	s9 =	smul.u32 $0xF7A, s1;
	s8 =	simm.s32 @!p0 $0x1BF5;
	p2 =	por !p2, p0  }
0x20: {  	[sflag:s8] =	ssyncset.s32 @!p0 $0xFFFFF086;
	s6 =	sadd.s32 @!p0 s3, s7;
	s7 =	simm.s32 @!p0 $0x108  }
0x21: {  	s3 =	sadd.s32 s3, s9;
	s6 =	sadd.s32 @!p0 $0x88, s6;
	s7 =	simm.s32 @p2 $0x1082  }
0x22: {  	[simem:s7], [sflag:s8] =	dma.local @!p0 [hbm:s6], $0xF7A  }
0x23: {  	s9 =	sor.u32 $0xD0000000, s2;
	s6 =	simm.s32 $0x108;
	_ =	swait.ge @!p0 [sflag:s8], $0x0  }
0x24: {  	s3 =	sadd.s32 $0x88, s3;
	s6 =	simm.s32 @!p1 $0x1082;
	[sflag:s4] =	ssyncset.s32 $0xFFFFF086  }
0x25: {  	[simem:s6], [sflag:s4] =	dma.local [hbm:s3], $0xF7A  }
0x26: {  	[smem:$0x3FA0] =	sst s1;
	(tag) =	ssettag s2;
	_ =	strace s9  }
0x27: {  	s1 =	sld [smem:$0x3FB0]  }
0x28: {  	s2 =	sld [smem:$0x3FB1]  }
0x29: {  	s4 =	sld [smem:$0x3FB3]  }
0x2a: {  	p0 =	seq.s32 s5, $0x0;
	s5 =	sld [smem:$0x3FB4]  }
0x2b: {  	s6 =	sld [smem:$0x3FB5]  }
0x2c: {  	s7 =	sld [smem:$0x3FB6]  }
0x2d: {  	s3 =	simm.s32 $0x108;
	s8 =	sld [smem:$0x3FB7]  }
0x2e: {  	s3 =	simm.s32 @!p0 $0x1082;
	s9 =	sld [smem:$0x3FB8]  }
0x2f: {  	lr =	sadd.s32 s0, s3;
	s0 =	sld [smem:$0x3FAF]  }
0x30: {  	s3 =	sld [smem:$0x3FB2]  }
0x31: {  	[smem:$0x3FBB] =	sst s10  }
0x32: {  	s10 =	sld [smem:$0x3FB9];
	_ =	sdelay $0x3  }
0x33: {  	p0 =	seq.s32 s10, $0x1;
	s10 =	sld [smem:$0x3FBB];
	_ =	sdelay $0x3  }
0x34: {  	[smem:$0x3FBB] =	sst s10  }
0x35: {  	s10 =	sld [smem:$0x3FBA];
	_ =	sdelay $0x3  }
0x36: {  	p1 =	seq.s32 s10, $0x1;
	s10 =	sld [smem:$0x3FBB];
	_ =	sdelay $0x3  }
0x37: {  	[smem:$0x3FBB] =	sst s10  }
0x38: {  	s10 =	sld [smem:$0x3FBC]  }
0x39: {  	_ = 	snop;
	(pc) =	sbr.ind lr, $3  }
0x3a: {  	_ = 	snop  }
0x3b: {  	_ = 	snop  }
0x3c: {  	p2 =	seq.s32 s10, $0x1;
	s10 =	sld [smem:$0x3FBB]  }
0x3d: {  	_ =	shalt  }
0x3e: {  	_ =	shalt  }
0x3f: {  	_ =	shalt  }
0x40: {  	_ =	shalt  }
0x41: {  	_ =	shalt  }
0x42: {  	_ =	shalt  }
0x43: {  	_ =	shalt  }
0x44: {  	_ =	shalt  }
0x45: {  	_ =	shalt  }
0x46: {  	_ =	shalt  }
0x47: {  	_ =	shalt  }
0x48: {  	_ =	shalt  }
0x49: {  	_ =	shalt  }
0x4a: {  	_ =	shalt  }
0x4b: {  	_ =	shalt  }
0x4c: {  	_ =	shalt  }
0x4d: {  	_ =	shalt  }
0x4e: {  	_ =	shalt  }
0x4f: {  	_ =	shalt  }
0x50: {  	_ =	shalt  }
0x51: {  	_ =	shalt  }
0x52: {  	_ =	shalt  }
0x53: {  	_ =	shalt  }
0x54: {  	_ =	shalt  }
0x55: {  	_ =	shalt  }
0x56: {  	_ =	shalt  }
0x57: {  	_ =	shalt  }
0x58: {  	_ =	shalt  }
0x59: {  	_ =	shalt  }
0x5a: {  	_ =	shalt  }
0x5b: {  	_ =	shalt  }
0x5c: {  	_ =	shalt  }
0x5d: {  	_ =	shalt  }
0x5e: {  	_ =	shalt  }
0x5f: {  	_ =	shalt  }
0x60: {  	_ =	shalt  }
0x61: {  	_ =	shalt  }
0x62: {  	_ =	shalt  }
0x63: {  	_ =	shalt  }
0x64: {  	_ =	shalt  }
0x65: {  	_ =	shalt  }
0x66: {  	_ =	shalt  }
0x67: {  	_ =	shalt  }
0x68: {  	_ =	shalt  }
0x69: {  	_ =	shalt  }
0x6a: {  	_ =	shalt  }
0x6b: {  	_ =	shalt  }
0x6c: {  	_ =	shalt  }
0x6d: {  	_ =	shalt  }
0x6e: {  	_ =	shalt  }
0x6f: {  	_ =	shalt  }
0x70: {  	_ =	shalt  }
0x71: {  	_ =	shalt  }
0x72: {  	_ =	shalt  }
0x73: {  	_ =	shalt  }
0x74: {  	_ =	shalt  }
0x75: {  	_ =	shalt  }
0x76: {  	_ =	shalt  }
0x77: {  	_ =	shalt  }
0x78: {  	_ =	shalt  }
0x79: {  	_ =	shalt  }
0x7a: {  	_ =	shalt  }
0x7b: {  	_ =	shalt  }
0x7c: {  	_ =	shalt  }
0x7d: {  	_ =	shalt  }
0x7e: {  	_ =	shalt  }
0x7f: {  	_ =	shalt  }
0x80: {  	_ =	shalt  }
0x81: {  	_ =	shalt  }
0x82: {  	_ =	shalt  }
0x83: {  	_ =	shalt  }
0x84: {  	_ =	shalt  }
0x85: {  	_ =	shalt  }
0x86: {  	_ =	shalt  }
0x87: {  	_ =	shalt  }
.Lfunc_end0:
.L_simem_size_0:
called_computation_lowered:
.L_overlay_start_0:
0x88: {  	s2 =	sld [smem:$0x3FD9]  }
0x89: {  	s3 =	sld [smem:$0x3FFE];
	_ =	sdelay $0x1  }
0x8a: {  	s1 =	srdreg.scid  }
0x8b: {  	s0 =	sand.u32 $0x1, s1  }
0x8c: {  	s10 =	sshll.u32 s0, $0xA;
	s2 =	sadd.s32 s3, s2  }
0x8d: {  	s2 =	sadd.s32 s2, s10  }
0x8e: {  	[smem:$0x3FC7] =	sst s2  }
0x8f: {  	_ = 	snop  }
0x90: {  	s2 =	sld [smem:$0x3FD0];
	_ =	sdelay $0x2  }
0x91: {  	s4 =	simm.s32 $0xB;
	s5 =	simm.s32 $0x10;
	s3 =	sld [smem:$0x3FC9]  }
0x92: {  	[smem:s5], [sflag:s4] =	dma.local [hbm:s2], $0x1  }
0x93: {  	_ =	swait.eq [sflag:s4], $0x1  }
0x94: {  	[sflag:s4] =	ssyncset.done $0x0  }
0x95: {  	s5 =	simm.s32 $0x0;
	s7 =	sld [smem:$0x10];
	[sflag:s4] =	ssyncadd.s32 $0xFFFFFFFF  }
0x96: {  	[smem:$0xF] =	sst s5  }
0x97: {  	(tm) =	ssettm $0x1  }
0x98: {  	s11 =	sld [smem:$0x3FFB];
	_ =	sdelay $0x3  }
0x99: {  	_ =	strace s11  }
0x9a: {  	s2 =	sld [smem:$0x3FFC];
	_ =	sdelay $0x3  }
0x9b: {  	_ =	strace s2  }
0x9c: {  	s2 =	sld [smem:$0x3FFD];
	_ =	sdelay $0x1  }
0x9d: {  	s8 =	smul.u32 $0xE68, s0  }
0x9e: {  	s12 =	simm.s32 $0x1B8B;
	s13 =	simm.s32 $0x1B8E;
	p0 =	seq.s32 s0, $0x1  }
0x9f: {  	s15 =	smin.u32 s8, $0xE60;
	s10 =	simm.s32 @p0 $0x10000;
	_ =	strace s2  }
0xa0: {  	s8 =	sadd.s32 @p0 $0x1E6000, s3;
	s2 =	sshll.u32 s15, $0x8;
	_ =	strace $0x8FFFFFFF  }
0xa1: {  	s4 =	simm.s32 $0xA;
	s9 =	sadd.s32 s2, s7;
	_ =	swait.ge [sflag:s12], $0x1  }
0xa2: {  	s2 =	simm.s32 $0x9;
	s16 =	sadd.s32 $0x10000, s9;
	s6 =	sld [smem:$0x3FFE]  }
0xa3: {  	s17 =	sadd.s32 $0x20000, s9;
	s18 =	sadd.s32 $0x30000, s9;
	[sflag:s12] =	ssyncset.done $0x0  }
0xa4: {  	s19 =	sadd.s32 $0x40000, s9;
	s20 =	sadd.s32 $0x50000, s9;
	[sflag:s12] =	ssyncadd.s32 $0xFFFFFFFF  }
0xa5: {  	s21 =	sadd.s32 $0x60000, s9;
	s22 =	sadd.s32 $0x70000, s9;
	[smem:$0x3FD2] =	sst s13  }
0xa6: {  	s23 =	sadd.s32 $0x80000, s9;
	_ =	strace $0x80000046;
	s14 =	sadd.s32 $0x2400, s6  }
0xa7: {  	[spmem:s5], [sflag:s4] =	dma.local [hbm:s14], $0x10000  }
0xa8: {  	s24 =	sadd.s32 $0x90000, s9;
	s25 =	sadd.s32 $0xA0000, s9;
	_ =	swait.ge [sflag:s4], $0x10000  }
0xa9: {  	s26 =	sadd.s32 $0xB0000, s9;
	s28 =	sadd.s32 $0xC0000, s9;
	[sflag:s4] =	ssyncset.done $0x0  }
0xaa: {  	s29 =	sadd.s32 $0xD0000, s9;
	s30 =	sadd.s32 $0xE0000, s9;
	[sflag:s4] =	ssyncadd.s32 $0xFFFF0000  }
0xab: {  	[hbm:s9], [sflag:s2] =	dma.local [spmem:s5], $0x10000  }
0xac: {  	[hbm:s16], [sflag:s2] =	dma.local [spmem:s5], $0x10000  }
0xad: {  	[hbm:s17], [sflag:s2] =	dma.local [spmem:s5], $0x10000  }
0xae: {  	[hbm:s18], [sflag:s2] =	dma.local [spmem:s5], $0x10000  }
0xaf: {  	[hbm:s19], [sflag:s2] =	dma.local [spmem:s5], $0x10000  }
0xb0: {  	[hbm:s20], [sflag:s2] =	dma.local [spmem:s5], $0x10000  }
0xb1: {  	[hbm:s21], [sflag:s2] =	dma.local [spmem:s5], $0x10000  }
0xb2: {  	[hbm:s22], [sflag:s2] =	dma.local [spmem:s5], $0x10000  }
0xb3: {  	[hbm:s23], [sflag:s2] =	dma.local [spmem:s5], $0x10000  }
0xb4: {  	[hbm:s24], [sflag:s2] =	dma.local [spmem:s5], $0x10000  }
0xb5: {  	[hbm:s25], [sflag:s2] =	dma.local [spmem:s5], $0x10000  }
0xb6: {  	[hbm:s26], [sflag:s2] =	dma.local [spmem:s5], $0x10000  }
0xb7: {  	[hbm:s28], [sflag:s2] =	dma.local [spmem:s5], $0x10000  }
0xb8: {  	[hbm:s29], [sflag:s2] =	dma.local [spmem:s5], $0x10000  }
0xb9: {  	[hbm:s30], [sflag:s2] =	dma.local [spmem:s5], $0x6800  }
0xba: {  	[spmem:s10], [sflag:s4] =	dma.local @p0 [hbm:s8], $0x1A000  }
0xbb: {  	s8 =	simm.s32 @p0 $0xA  }
0xbc: {  	_ =	swait.ge @p0 [sflag:s8], $0x1A000  }
0xbd: {  	[sflag:s8] =	ssyncset.done @p0 $0x0  }
0xbe: {  	[sflag:s8] =	ssyncadd.s32 @p0 $0xFFFE6000  }
0xbf: {  	s6 =	sadd.s32 $0x400, s6;
	s10 =	simm.s32 @!p0 $0xA;
	s8 =	simm.s32 @!p0 $0x10000  }
0xc0: {  	[spmem:s8], [sflag:s4] =	dma.local @!p0 [hbm:s6], $0x800  }
0xc1: {  	s31 =	smul.u32 $0x1A0, s0;
	_ =	swait.ge @!p0 [sflag:s10], $0x800  }
0xc2: {  	s11 =	sadd.s32 @!p0 $0x1CD000, s3;
	s15 =	sadd.s32 $0x230000, s9;
	[sflag:s10] =	ssyncset.done @!p0 $0x0  }
0xc3: {  	s12 =	simm.s32 @!p0 $0x10800;
	s13 =	sadd.s32 $0x210000, s9;
	[sflag:s10] =	ssyncadd.s32 @!p0 $0xFFFFF800  }
0xc4: {  	s14 =	sadd.s32 $0x220000, s9;
	s16 =	sadd.s32 $0x240000, s9;
	s17 =	sadd.s32 $0x250000, s9  }
0xc5: {  	[spmem:s12], [sflag:s4] =	dma.local @!p0 [hbm:s11], $0x19800  }
0xc6: {  	s18 =	sadd.s32 $0x260000, s9;
	s8 =	smin.u32 s31, $0x198;
	_ =	swait.ge @!p0 [sflag:s10], $0x19800  }
0xc7: {  	s19 =	sadd.s32 $0x270000, s9;
	s8 =	sshll.u32 s8, $0x8;
	[sflag:s10] =	ssyncset.done @!p0 $0x0  }
0xc8: {  	s20 =	sadd.s32 $0x280000, s9;
	s7 =	sadd.s32 s7, s8;
	[sflag:s10] =	ssyncadd.s32 @!p0 $0xFFFE6800  }
0xc9: {  	s21 =	sadd.s32 $0x290000, s9;
	s8 =	simm.s32 $0x10000;
	s11 =	sadd.s32 $0x1CC800, s7  }
0xca: {  	[hbm:s11], [sflag:s4] =	dma.local [spmem:s8], $0x1A000  }
0xcb: {  	s22 =	sadd.s32 $0x2A0000, s9;
	s23 =	sadd.s32 $0x2B0000, s9;
	_ =	swait.ge [sflag:s4], $0x1A000  }
0xcc: {  	s24 =	sadd.s32 $0x2C0000, s9;
	s25 =	sadd.s32 $0x2D0000, s9;
	[sflag:s4] =	ssyncset.done $0x0  }
0xcd: {  	s26 =	sadd.s32 $0x2E0000, s9;
	s12 =	sadd.s32 $0x200000, s9;
	[sflag:s4] =	ssyncadd.s32 $0xFFFE6000  }
0xce: {  	[hbm:s12], [sflag:s2] =	dma.local [spmem:s5], $0x10000  }
0xcf: {  	[hbm:s13], [sflag:s2] =	dma.local [spmem:s5], $0x10000  }
0xd0: {  	[hbm:s14], [sflag:s2] =	dma.local [spmem:s5], $0x10000  }
0xd1: {  	[hbm:s15], [sflag:s2] =	dma.local [spmem:s5], $0x10000  }
0xd2: {  	[hbm:s16], [sflag:s2] =	dma.local [spmem:s5], $0x10000  }
0xd3: {  	[hbm:s17], [sflag:s2] =	dma.local [spmem:s5], $0x10000  }
0xd4: {  	[hbm:s18], [sflag:s2] =	dma.local [spmem:s5], $0x10000  }
0xd5: {  	[hbm:s19], [sflag:s2] =	dma.local [spmem:s5], $0x10000  }
0xd6: {  	[hbm:s20], [sflag:s2] =	dma.local [spmem:s5], $0x10000  }
0xd7: {  	[hbm:s21], [sflag:s2] =	dma.local [spmem:s5], $0x10000  }
0xd8: {  	[hbm:s22], [sflag:s2] =	dma.local [spmem:s5], $0x10000  }
0xd9: {  	[hbm:s23], [sflag:s2] =	dma.local [spmem:s5], $0x10000  }
0xda: {  	[hbm:s24], [sflag:s2] =	dma.local [spmem:s5], $0x10000  }
0xdb: {  	[hbm:s25], [sflag:s2] =	dma.local [spmem:s5], $0x10000  }
0xdc: {  	[hbm:s26], [sflag:s2] =	dma.local [spmem:s5], $0x6800  }
0xdd: {  	_ =	swait.ge [sflag:s2], $0x10000  }
0xde: {  	[sflag:s2] =	ssyncset.done $0x0  }
0xdf: {  	[sflag:s2] =	ssyncadd.s32 $0xFFFF0000;
	_ =	sdelay $0x2  }
0xe0: {  	_ =	swait.ge [sflag:s2], $0x10000  }
0xe1: {  	[sflag:s2] =	ssyncset.done $0x0  }
0xe2: {  	[sflag:s2] =	ssyncadd.s32 $0xFFFF0000;
	_ =	sdelay $0x2  }
0xe3: {  	_ =	swait.ge [sflag:s2], $0x10000  }
0xe4: {  	[sflag:s2] =	ssyncset.done $0x0  }
0xe5: {  	[sflag:s2] =	ssyncadd.s32 $0xFFFF0000;
	_ =	sdelay $0x2  }
0xe6: {  	_ =	swait.ge [sflag:s2], $0x10000  }
0xe7: {  	[sflag:s2] =	ssyncset.done $0x0  }
0xe8: {  	[sflag:s2] =	ssyncadd.s32 $0xFFFF0000;
	_ =	sdelay $0x2  }
0xe9: {  	_ =	swait.ge [sflag:s2], $0x10000  }
0xea: {  	[sflag:s2] =	ssyncset.done $0x0  }
0xeb: {  	[sflag:s2] =	ssyncadd.s32 $0xFFFF0000;
	_ =	sdelay $0x2  }
0xec: {  	_ =	swait.ge [sflag:s2], $0x10000  }
0xed: {  	[sflag:s2] =	ssyncset.done $0x0  }
0xee: {  	[sflag:s2] =	ssyncadd.s32 $0xFFFF0000;
	_ =	sdelay $0x2  }
0xef: {  	_ =	swait.ge [sflag:s2], $0x10000  }
0xf0: {  	[sflag:s2] =	ssyncset.done $0x0  }
0xf1: {  	[sflag:s2] =	ssyncadd.s32 $0xFFFF0000;
	_ =	sdelay $0x2  }
0xf2: {  	_ =	swait.ge [sflag:s2], $0x10000  }
0xf3: {  	[sflag:s2] =	ssyncset.done $0x0  }
0xf4: {  	[sflag:s2] =	ssyncadd.s32 $0xFFFF0000;
	_ =	sdelay $0x2  }
0xf5: {  	_ =	swait.ge [sflag:s2], $0x10000  }
0xf6: {  	[sflag:s2] =	ssyncset.done $0x0  }
0xf7: {  	[sflag:s2] =	ssyncadd.s32 $0xFFFF0000;
	_ =	sdelay $0x2  }
0xf8: {  	_ =	swait.ge [sflag:s2], $0x10000  }
0xf9: {  	[sflag:s2] =	ssyncset.done $0x0  }
0xfa: {  	[sflag:s2] =	ssyncadd.s32 $0xFFFF0000;
	_ =	sdelay $0x2  }
0xfb: {  	_ =	swait.ge [sflag:s2], $0x10000  }
0xfc: {  	[sflag:s2] =	ssyncset.done $0x0  }
0xfd: {  	[sflag:s2] =	ssyncadd.s32 $0xFFFF0000;
	_ =	sdelay $0x2  }
0xfe: {  	_ =	swait.ge [sflag:s2], $0x10000  }
0xff: {  	[sflag:s2] =	ssyncset.done $0x0  }
0x100: {  	[sflag:s2] =	ssyncadd.s32 $0xFFFF0000;
	_ =	sdelay $0x2  }
0x101: {  	_ =	swait.ge [sflag:s2], $0x10000  }
0x102: {  	[sflag:s2] =	ssyncset.done $0x0  }
0x103: {  	[sflag:s2] =	ssyncadd.s32 $0xFFFF0000;
	_ =	sdelay $0x2  }
0x104: {  	_ =	swait.ge [sflag:s2], $0x10000  }
0x105: {  	[sflag:s2] =	ssyncset.done $0x0  }
0x106: {  	[sflag:s2] =	ssyncadd.s32 $0xFFFF0000;
	_ =	sdelay $0x2  }
0x107: {  	_ =	swait.ge [sflag:s2], $0x6800  }
0x108: {  	[sflag:s2] =	ssyncset.done $0x0  }
0x109: {  	p0 =	sne.s32 s0, $0x0;
	[sflag:s2] =	ssyncadd.s32 $0xFFFF9800  }
0x10a: {  	s10 =	sadd.s32 @p0 $0x3E6000, s3;
	s11 =	simm.s32 @p0 $0xA;
	s12 =	simm.s32 @p0 $0x10000  }
0x10b: {  	[spmem:s12], [sflag:s4] =	dma.local @p0 [hbm:s10], $0x1A000  }
0x10c: {  	_ =	swait.ge @p0 [sflag:s11], $0x1A000  }
0x10d: {  	[sflag:s11] =	ssyncset.done @p0 $0x0  }
0x10e: {  	s13 =	simm.s32 @!p0 $0x10000;
	s10 =	sadd.s32 @!p0 $0x800, s6;
	[sflag:s11] =	ssyncadd.s32 @p0 $0xFFFE6000  }
0x10f: {  	[spmem:s13], [sflag:s4] =	dma.local @!p0 [hbm:s10], $0x800  }
0x110: {  	s10 =	simm.s32 @!p0 $0xA  }
0x111: {  	_ =	swait.ge @!p0 [sflag:s10], $0x800  }
0x112: {  	[sflag:s10] =	ssyncset.done @!p0 $0x0  }
0x113: {  	[sflag:s10] =	ssyncadd.s32 @!p0 $0xFFFFF800  }
0x114: {  	s29 =	sadd.s32 $0x400000, s9;
	s14 =	simm.s32 @!p0 $0x10800;
	s15 =	sadd.s32 @!p0 $0x3CD000, s3  }
0x115: {  	[spmem:s14], [sflag:s4] =	dma.local @!p0 [hbm:s15], $0x19800  }
0x116: {  	s30 =	sadd.s32 $0x410000, s9;
	s31 =	sadd.s32 $0x420000, s9;
	_ =	swait.ge @!p0 [sflag:s10], $0x19800  }
0x117: {  	s28 =	sadd.s32 $0x3CC800, s7;
	s16 =	sadd.s32 $0x430000, s9;
	[sflag:s10] =	ssyncset.done @!p0 $0x0  }
0x118: {  	s17 =	sadd.s32 $0x440000, s9;
	s18 =	sadd.s32 $0x450000, s9;
	[sflag:s10] =	ssyncadd.s32 @!p0 $0xFFFE6800  }
0x119: {  	s19 =	sadd.s32 $0x460000, s9;
	s20 =	sadd.s32 $0x470000, s9;
	s21 =	sadd.s32 $0x480000, s9  }
0x11a: {  	[hbm:s28], [sflag:s4] =	dma.local [spmem:s8], $0x1A000  }
0x11b: {  	s22 =	sadd.s32 $0x490000, s9;
	s23 =	sadd.s32 $0x4A0000, s9;
	_ =	swait.ge [sflag:s4], $0x1A000  }
0x11c: {  	s24 =	sadd.s32 $0x4B0000, s9;
	s25 =	sadd.s32 $0x4C0000, s9;
	[sflag:s4] =	ssyncset.done $0x0  }
0x11d: {  	s26 =	sadd.s32 $0x4D0000, s9;
	s28 =	sadd.s32 $0x4E0000, s9;
	[sflag:s4] =	ssyncadd.s32 $0xFFFE6000  }
0x11e: {  	[hbm:s29], [sflag:s2] =	dma.local [spmem:s5], $0x10000  }
0x11f: {  	[hbm:s30], [sflag:s2] =	dma.local [spmem:s5], $0x10000  }
0x120: {  	[hbm:s31], [sflag:s2] =	dma.local [spmem:s5], $0x10000  }
0x121: {  	[hbm:s16], [sflag:s2] =	dma.local [spmem:s5], $0x10000  }
0x122: {  	[hbm:s17], [sflag:s2] =	dma.local [spmem:s5], $0x10000  }
0x123: {  	[hbm:s18], [sflag:s2] =	dma.local [spmem:s5], $0x10000  }
0x124: {  	[hbm:s19], [sflag:s2] =	dma.local [spmem:s5], $0x10000  }
0x125: {  	[hbm:s20], [sflag:s2] =	dma.local [spmem:s5], $0x10000  }
0x126: {  	[hbm:s21], [sflag:s2] =	dma.local [spmem:s5], $0x10000  }
0x127: {  	[hbm:s22], [sflag:s2] =	dma.local [spmem:s5], $0x10000  }
0x128: {  	[hbm:s23], [sflag:s2] =	dma.local [spmem:s5], $0x10000  }
0x129: {  	[hbm:s24], [sflag:s2] =	dma.local [spmem:s5], $0x10000  }
0x12a: {  	[hbm:s25], [sflag:s2] =	dma.local [spmem:s5], $0x10000  }
0x12b: {  	[hbm:s26], [sflag:s2] =	dma.local [spmem:s5], $0x10000  }
0x12c: {  	[hbm:s28], [sflag:s2] =	dma.local [spmem:s5], $0x6800  }
0x12d: {  	_ =	swait.ge [sflag:s2], $0x10000  }
0x12e: {  	[sflag:s2] =	ssyncset.done $0x0  }
0x12f: {  	[sflag:s2] =	ssyncadd.s32 $0xFFFF0000;
	_ =	sdelay $0x2  }
0x130: {  	_ =	swait.ge [sflag:s2], $0x10000  }
0x131: {  	[sflag:s2] =	ssyncset.done $0x0  }
0x132: {  	[sflag:s2] =	ssyncadd.s32 $0xFFFF0000;
	_ =	sdelay $0x2  }
0x133: {  	_ =	swait.ge [sflag:s2], $0x10000  }
0x134: {  	[sflag:s2] =	ssyncset.done $0x0  }
0x135: {  	[sflag:s2] =	ssyncadd.s32 $0xFFFF0000;
	_ =	sdelay $0x2  }
0x136: {  	_ =	swait.ge [sflag:s2], $0x10000  }
0x137: {  	[sflag:s2] =	ssyncset.done $0x0  }
0x138: {  	[sflag:s2] =	ssyncadd.s32 $0xFFFF0000;
	_ =	sdelay $0x2  }
0x139: {  	_ =	swait.ge [sflag:s2], $0x10000  }
0x13a: {  	[sflag:s2] =	ssyncset.done $0x0  }
0x13b: {  	[sflag:s2] =	ssyncadd.s32 $0xFFFF0000;
	_ =	sdelay $0x2  }
0x13c: {  	_ =	swait.ge [sflag:s2], $0x10000  }
0x13d: {  	[sflag:s2] =	ssyncset.done $0x0  }
0x13e: {  	[sflag:s2] =	ssyncadd.s32 $0xFFFF0000;
	_ =	sdelay $0x2  }
0x13f: {  	_ =	swait.ge [sflag:s2], $0x10000  }
0x140: {  	[sflag:s2] =	ssyncset.done $0x0  }
0x141: {  	[sflag:s2] =	ssyncadd.s32 $0xFFFF0000;
	_ =	sdelay $0x2  }
0x142: {  	_ =	swait.ge [sflag:s2], $0x10000  }
0x143: {  	[sflag:s2] =	ssyncset.done $0x0  }
0x144: {  	[sflag:s2] =	ssyncadd.s32 $0xFFFF0000;
	_ =	sdelay $0x2  }
0x145: {  	_ =	swait.ge [sflag:s2], $0x10000  }
0x146: {  	[sflag:s2] =	ssyncset.done $0x0  }
0x147: {  	[sflag:s2] =	ssyncadd.s32 $0xFFFF0000;
	_ =	sdelay $0x2  }
0x148: {  	_ =	swait.ge [sflag:s2], $0x10000  }
0x149: {  	[sflag:s2] =	ssyncset.done $0x0  }
0x14a: {  	[sflag:s2] =	ssyncadd.s32 $0xFFFF0000;
	_ =	sdelay $0x2  }
0x14b: {  	_ =	swait.ge [sflag:s2], $0x10000  }
0x14c: {  	[sflag:s2] =	ssyncset.done $0x0  }
0x14d: {  	[sflag:s2] =	ssyncadd.s32 $0xFFFF0000;
	_ =	sdelay $0x2  }
0x14e: {  	_ =	swait.ge [sflag:s2], $0x10000  }
0x14f: {  	[sflag:s2] =	ssyncset.done $0x0  }
0x150: {  	[sflag:s2] =	ssyncadd.s32 $0xFFFF0000;
	_ =	sdelay $0x2  }
0x151: {  	_ =	swait.ge [sflag:s2], $0x10000  }
0x152: {  	[sflag:s2] =	ssyncset.done $0x0  }
0x153: {  	[sflag:s2] =	ssyncadd.s32 $0xFFFF0000;
	_ =	sdelay $0x2  }
0x154: {  	_ =	swait.ge [sflag:s2], $0x10000  }
0x155: {  	[sflag:s2] =	ssyncset.done $0x0  }
0x156: {  	[sflag:s2] =	ssyncadd.s32 $0xFFFF0000;
	_ =	sdelay $0x2  }
0x157: {  	_ =	swait.ge [sflag:s2], $0x6800  }
0x158: {  	[sflag:s2] =	ssyncset.done $0x0  }
0x159: {  	[sflag:s2] =	ssyncadd.s32 $0xFFFF9800  }
0x15a: {  	s15 =	sadd.s32 @p0 $0x5E6000, s3  }
0x15b: {  	[spmem:s12], [sflag:s4] =	dma.local @p0 [hbm:s15], $0x1A000  }
0x15c: {  	_ =	swait.ge @p0 [sflag:s11], $0x1A000  }
0x15d: {  	[sflag:s11] =	ssyncset.done @p0 $0x0  }
0x15e: {  	[sflag:s11] =	ssyncadd.s32 @p0 $0xFFFE6000  }
0x15f: {  	s15 =	sadd.s32 @!p0 $0x1000, s6  }
0x160: {  	[spmem:s13], [sflag:s4] =	dma.local @!p0 [hbm:s15], $0x800  }
0x161: {  	_ =	swait.ge @!p0 [sflag:s10], $0x800  }
0x162: {  	[sflag:s10] =	ssyncset.done @!p0 $0x0  }
0x163: {  	[sflag:s10] =	ssyncadd.s32 @!p0 $0xFFFFF800  }
0x164: {  	s29 =	sadd.s32 $0x5CC800, s7;
	s15 =	sadd.s32 @!p0 $0x5CD000, s3  }
0x165: {  	[spmem:s14], [sflag:s4] =	dma.local @!p0 [hbm:s15], $0x19800  }
0x166: {  	s30 =	sadd.s32 $0x600000, s9;
	s31 =	sadd.s32 $0x610000, s9;
	_ =	swait.ge @!p0 [sflag:s10], $0x19800  }
0x167: {  	s16 =	sadd.s32 $0x620000, s9;
	s17 =	sadd.s32 $0x630000, s9;
	[sflag:s10] =	ssyncset.done @!p0 $0x0  }
0x168: {  	s18 =	sadd.s32 $0x640000, s9;
	s19 =	sadd.s32 $0x650000, s9;
	[sflag:s10] =	ssyncadd.s32 @!p0 $0xFFFE6800  }
0x169: {  	s20 =	sadd.s32 $0x660000, s9;
	s21 =	sadd.s32 $0x670000, s9;
	s22 =	sadd.s32 $0x680000, s9  }
0x16a: {  	[hbm:s29], [sflag:s4] =	dma.local [spmem:s8], $0x1A000  }
0x16b: {  	s23 =	sadd.s32 $0x690000, s9;
	s24 =	sadd.s32 $0x6A0000, s9;
	_ =	swait.ge [sflag:s4], $0x1A000  }
0x16c: {  	s25 =	sadd.s32 $0x6B0000, s9;
	s26 =	sadd.s32 $0x6C0000, s9;
	[sflag:s4] =	ssyncset.done $0x0  }
0x16d: {  	s28 =	sadd.s32 $0x6D0000, s9;
	s9 =	sadd.s32 $0x6E0000, s9;
	[sflag:s4] =	ssyncadd.s32 $0xFFFE6000  }
0x16e: {  	[hbm:s30], [sflag:s2] =	dma.local [spmem:s5], $0x10000  }
0x16f: {  	[hbm:s31], [sflag:s2] =	dma.local [spmem:s5], $0x10000  }
0x170: {  	[hbm:s16], [sflag:s2] =	dma.local [spmem:s5], $0x10000  }
0x171: {  	[hbm:s17], [sflag:s2] =	dma.local [spmem:s5], $0x10000  }
0x172: {  	[hbm:s18], [sflag:s2] =	dma.local [spmem:s5], $0x10000  }
0x173: {  	[hbm:s19], [sflag:s2] =	dma.local [spmem:s5], $0x10000  }
0x174: {  	[hbm:s20], [sflag:s2] =	dma.local [spmem:s5], $0x10000  }
0x175: {  	[hbm:s21], [sflag:s2] =	dma.local [spmem:s5], $0x10000  }
0x176: {  	[hbm:s22], [sflag:s2] =	dma.local [spmem:s5], $0x10000  }
0x177: {  	[hbm:s23], [sflag:s2] =	dma.local [spmem:s5], $0x10000  }
0x178: {  	[hbm:s24], [sflag:s2] =	dma.local [spmem:s5], $0x10000  }
0x179: {  	[hbm:s25], [sflag:s2] =	dma.local [spmem:s5], $0x10000  }
0x17a: {  	[hbm:s26], [sflag:s2] =	dma.local [spmem:s5], $0x10000  }
0x17b: {  	[hbm:s28], [sflag:s2] =	dma.local [spmem:s5], $0x10000  }
0x17c: {  	[hbm:s9], [sflag:s2] =	dma.local [spmem:s5], $0x6800  }
0x17d: {  	_ =	swait.ge [sflag:s2], $0x10000  }
0x17e: {  	[sflag:s2] =	ssyncset.done $0x0  }
0x17f: {  	[sflag:s2] =	ssyncadd.s32 $0xFFFF0000;
	_ =	sdelay $0x2  }
0x180: {  	_ =	swait.ge [sflag:s2], $0x10000  }
0x181: {  	[sflag:s2] =	ssyncset.done $0x0  }
0x182: {  	[sflag:s2] =	ssyncadd.s32 $0xFFFF0000;
	_ =	sdelay $0x2  }
0x183: {  	_ =	swait.ge [sflag:s2], $0x10000  }
0x184: {  	[sflag:s2] =	ssyncset.done $0x0  }
0x185: {  	[sflag:s2] =	ssyncadd.s32 $0xFFFF0000;
	_ =	sdelay $0x2  }
0x186: {  	_ =	swait.ge [sflag:s2], $0x10000  }
0x187: {  	[sflag:s2] =	ssyncset.done $0x0  }
0x188: {  	[sflag:s2] =	ssyncadd.s32 $0xFFFF0000;
	_ =	sdelay $0x2  }
0x189: {  	_ =	swait.ge [sflag:s2], $0x10000  }
0x18a: {  	[sflag:s2] =	ssyncset.done $0x0  }
0x18b: {  	[sflag:s2] =	ssyncadd.s32 $0xFFFF0000;
	_ =	sdelay $0x2  }
0x18c: {  	_ =	swait.ge [sflag:s2], $0x10000  }
0x18d: {  	[sflag:s2] =	ssyncset.done $0x0  }
0x18e: {  	[sflag:s2] =	ssyncadd.s32 $0xFFFF0000;
	_ =	sdelay $0x2  }
0x18f: {  	_ =	swait.ge [sflag:s2], $0x10000  }
0x190: {  	[sflag:s2] =	ssyncset.done $0x0  }
0x191: {  	[sflag:s2] =	ssyncadd.s32 $0xFFFF0000;
	_ =	sdelay $0x2  }
0x192: {  	_ =	swait.ge [sflag:s2], $0x10000  }
0x193: {  	[sflag:s2] =	ssyncset.done $0x0  }
0x194: {  	[sflag:s2] =	ssyncadd.s32 $0xFFFF0000;
	_ =	sdelay $0x2  }
0x195: {  	_ =	swait.ge [sflag:s2], $0x10000  }
0x196: {  	[sflag:s2] =	ssyncset.done $0x0  }
0x197: {  	[sflag:s2] =	ssyncadd.s32 $0xFFFF0000;
	_ =	sdelay $0x2  }
0x198: {  	_ =	swait.ge [sflag:s2], $0x10000  }
0x199: {  	[sflag:s2] =	ssyncset.done $0x0  }
0x19a: {  	[sflag:s2] =	ssyncadd.s32 $0xFFFF0000;
	_ =	sdelay $0x2  }
0x19b: {  	_ =	swait.ge [sflag:s2], $0x10000  }
0x19c: {  	[sflag:s2] =	ssyncset.done $0x0  }
0x19d: {  	[sflag:s2] =	ssyncadd.s32 $0xFFFF0000;
	_ =	sdelay $0x2  }
0x19e: {  	_ =	swait.ge [sflag:s2], $0x10000  }
0x19f: {  	[sflag:s2] =	ssyncset.done $0x0  }
0x1a0: {  	[sflag:s2] =	ssyncadd.s32 $0xFFFF0000;
	_ =	sdelay $0x2  }
0x1a1: {  	_ =	swait.ge [sflag:s2], $0x10000  }
0x1a2: {  	[sflag:s2] =	ssyncset.done $0x0  }
0x1a3: {  	[sflag:s2] =	ssyncadd.s32 $0xFFFF0000;
	_ =	sdelay $0x2  }
0x1a4: {  	_ =	swait.ge [sflag:s2], $0x10000  }
0x1a5: {  	[sflag:s2] =	ssyncset.done $0x0  }
0x1a6: {  	[sflag:s2] =	ssyncadd.s32 $0xFFFF0000;
	_ =	sdelay $0x2  }
0x1a7: {  	_ =	swait.ge [sflag:s2], $0x6800  }
0x1a8: {  	[sflag:s2] =	ssyncset.done $0x0  }
0x1a9: {  	[sflag:s2] =	ssyncadd.s32 $0xFFFF9800  }
0x1aa: {  	s5 =	sadd.s32 @p0 $0x7E6000, s3  }
0x1ab: {  	[spmem:s12], [sflag:s4] =	dma.local @p0 [hbm:s5], $0x1A000  }
0x1ac: {  	_ =	swait.ge @p0 [sflag:s11], $0x1A000  }
0x1ad: {  	[sflag:s11] =	ssyncset.done @p0 $0x0  }
0x1ae: {  	[sflag:s11] =	ssyncadd.s32 @p0 $0xFFFE6000  }
0x1af: {  	s5 =	sadd.s32 @!p0 $0x1800, s6  }
0x1b0: {  	[spmem:s13], [sflag:s4] =	dma.local @!p0 [hbm:s5], $0x800  }
0x1b1: {  	_ =	swait.ge @!p0 [sflag:s10], $0x800  }
0x1b2: {  	[sflag:s10] =	ssyncset.done @!p0 $0x0  }
0x1b3: {  	[sflag:s10] =	ssyncadd.s32 @!p0 $0xFFFFF800  }
0x1b4: {  	s3 =	sadd.s32 @!p0 $0x7CD000, s3  }
0x1b5: {  	[spmem:s14], [sflag:s4] =	dma.local @!p0 [hbm:s3], $0x19800  }
0x1b6: {  	_ =	swait.ge @!p0 [sflag:s10], $0x19800  }
0x1b7: {  	[sflag:s10] =	ssyncset.done @!p0 $0x0  }
0x1b8: {  	[sflag:s10] =	ssyncadd.s32 @!p0 $0xFFFE6800  }
0x1b9: {  	s29 =	sadd.s32 $0x7CC800, s7  }
0x1ba: {  	[hbm:s29], [sflag:s4] =	dma.local [spmem:s8], $0x1A000  }
0x1bb: {  	_ =	swait.ge [sflag:s4], $0x1A000  }
0x1bc: {  	[sflag:s4] =	ssyncset.done $0x0  }
0x1bd: {  	[sflag:s4] =	ssyncadd.s32 $0xFFFE6000;
	_ =	sdelay $0x2  }
0x1be: {  	_ =	swait.ge [sflag:s2], $0x10000  }
0x1bf: {  	[sflag:s2] =	ssyncset.done $0x0  }
0x1c0: {  	[sflag:s2] =	ssyncadd.s32 $0xFFFF0000;
	_ =	sdelay $0x2  }
0x1c1: {  	_ =	swait.ge [sflag:s2], $0x10000  }
0x1c2: {  	[sflag:s2] =	ssyncset.done $0x0  }
0x1c3: {  	[sflag:s2] =	ssyncadd.s32 $0xFFFF0000;
	_ =	sdelay $0x2  }
0x1c4: {  	_ =	swait.ge [sflag:s2], $0x10000  }
0x1c5: {  	[sflag:s2] =	ssyncset.done $0x0  }
0x1c6: {  	[sflag:s2] =	ssyncadd.s32 $0xFFFF0000;
	_ =	sdelay $0x2  }
0x1c7: {  	_ =	swait.ge [sflag:s2], $0x10000  }
0x1c8: {  	[sflag:s2] =	ssyncset.done $0x0  }
0x1c9: {  	[sflag:s2] =	ssyncadd.s32 $0xFFFF0000;
	_ =	sdelay $0x2  }
0x1ca: {  	_ =	swait.ge [sflag:s2], $0x10000  }
0x1cb: {  	[sflag:s2] =	ssyncset.done $0x0  }
0x1cc: {  	[sflag:s2] =	ssyncadd.s32 $0xFFFF0000;
	_ =	sdelay $0x2  }
0x1cd: {  	_ =	swait.ge [sflag:s2], $0x10000  }
0x1ce: {  	[sflag:s2] =	ssyncset.done $0x0  }
0x1cf: {  	[sflag:s2] =	ssyncadd.s32 $0xFFFF0000;
	_ =	sdelay $0x2  }
0x1d0: {  	_ =	swait.ge [sflag:s2], $0x10000  }
0x1d1: {  	[sflag:s2] =	ssyncset.done $0x0  }
0x1d2: {  	[sflag:s2] =	ssyncadd.s32 $0xFFFF0000;
	_ =	sdelay $0x2  }
0x1d3: {  	_ =	swait.ge [sflag:s2], $0x10000  }
0x1d4: {  	[sflag:s2] =	ssyncset.done $0x0  }
0x1d5: {  	[sflag:s2] =	ssyncadd.s32 $0xFFFF0000;
	_ =	sdelay $0x2  }
0x1d6: {  	_ =	swait.ge [sflag:s2], $0x10000  }
0x1d7: {  	[sflag:s2] =	ssyncset.done $0x0  }
0x1d8: {  	[sflag:s2] =	ssyncadd.s32 $0xFFFF0000;
	_ =	sdelay $0x2  }
0x1d9: {  	_ =	swait.ge [sflag:s2], $0x10000  }
0x1da: {  	[sflag:s2] =	ssyncset.done $0x0  }
0x1db: {  	[sflag:s2] =	ssyncadd.s32 $0xFFFF0000;
	_ =	sdelay $0x2  }
0x1dc: {  	_ =	swait.ge [sflag:s2], $0x10000  }
0x1dd: {  	[sflag:s2] =	ssyncset.done $0x0  }
0x1de: {  	[sflag:s2] =	ssyncadd.s32 $0xFFFF0000;
	_ =	sdelay $0x2  }
0x1df: {  	_ =	swait.ge [sflag:s2], $0x10000  }
0x1e0: {  	[sflag:s2] =	ssyncset.done $0x0  }
0x1e1: {  	[sflag:s2] =	ssyncadd.s32 $0xFFFF0000;
	_ =	sdelay $0x2  }
0x1e2: {  	_ =	swait.ge [sflag:s2], $0x10000  }
0x1e3: {  	[sflag:s2] =	ssyncset.done $0x0  }
0x1e4: {  	[sflag:s2] =	ssyncadd.s32 $0xFFFF0000;
	_ =	sdelay $0x2  }
0x1e5: {  	_ =	swait.ge [sflag:s2], $0x10000  }
0x1e6: {  	[sflag:s2] =	ssyncset.done $0x0  }
0x1e7: {  	[sflag:s2] =	ssyncadd.s32 $0xFFFF0000;
	_ =	sdelay $0x2  }
0x1e8: {  	_ =	swait.ge [sflag:s2], $0x6800  }
0x1e9: {  	[sflag:s2] =	ssyncset.done $0x0  }
0x1ea: {  	[sflag:s2] =	ssyncadd.s32 $0xFFFF9800  }
0x1eb: {  	_ =	strace $0x90000046  }
0x1ec: {  	_ =	sfence  }
0x1ed: {  	s30 =	sld [smem:$0x0];
	_ =	sdelay $0x2  }
0x1ee: {  	s31 =	sshll.u32 s1, $0xD;
	s1 =	sshrl.u32 s1, $0x2  }
0x1ef: {  	s3 =	sand.u32 $0x4000, s31;
	s1 =	sadd.s32 s1, s30  }
0x1f0: {  	s0 =	sor.u32 s3, s0;
	s1 =	sshll.u32 s1, $0x11  }
0x1f1: {  	s0 =	sor.u32 s1, s0  }
0x1f2: {  	s0 =	sadd.s32 $0x8F2B, s0;
	(pc) =	sbr.abs _section_cstart, $3  }
0x1f3: {  	[sflag:s0] =	ssyncadd.remote.s32 $0x1  }
0x1f4: {  	_ =	strace $0x9FFFFFFF  }
0x1f5: {  	(tm) =	ssettm $0x7FFFFFFF  }

</sc_bundles>
